<compile_context>
chip_gen: v7x
topology: tpu7x:2x2x1
jax: 0.10.2.dev20260603
libtpu: 0.0.44.dev20260713+nightly
codegen_flags: <defaults>
</compile_context>

<pallas_src>
import functools

import jax
import jax.numpy as jnp
from jax import lax
from jax.experimental import pallas as pl
from jax.experimental.pallas import tpu as pltpu
from jax.experimental.pallas import tpu_sc as plsc

_NUM_SUBCORES = 16
_LANES = 16


def _tc_corr_matmul(sxl, sxr):
    B, Nl, J, A, T = sxl.shape
    Nr = sxr.shape[1]

    def copies(xl_hbm, xr_hbm, al_v, ar_v, sem_l, sem_r, b):
        return [
            pltpu.make_async_copy(
                xl_hbm.at[b, :, :, 0, :], al_v.at[b], sem_l.at[b]
            ),
            pltpu.make_async_copy(
                xr_hbm.at[b, :, :, 0, :], ar_v.at[b], sem_r.at[b]
            ),
        ]

    def body(xl_hbm, xr_hbm, c_ref, al_v, ar_v, sem_l, sem_r):
        b = pl.program_id(0)

        @pl.when(b == 0)
        def _prime():
            for bb in range(B):
                for c in copies(xl_hbm, xr_hbm, al_v, ar_v, sem_l, sem_r, bb):
                    c.start()

        for c in copies(xl_hbm, xr_hbm, al_v, ar_v, sem_l, sem_r, b):
            c.wait()
        bb_val = ar_v[b].reshape(Nr * J, T)
        for nl in range(Nl):
            c_ref[nl] = lax.dot_general(
                al_v[b, nl], bb_val, (((1,), (1,)), ((), ())),
                preferred_element_type=jnp.float32,
            )

    return pl.pallas_call(
        body,
        grid=(B,),
        in_specs=[
            pl.BlockSpec(memory_space=pl.ANY),
            pl.BlockSpec(memory_space=pl.ANY),
        ],
        out_specs=pl.BlockSpec((Nl, J, Nr * J), lambda b: (b, 0, 0)),
        out_shape=jax.ShapeDtypeStruct((B * Nl, J, Nr * J), jnp.float32),
        scratch_shapes=[
            pltpu.VMEM((B, Nl, J, T), jnp.float32),
            pltpu.VMEM((B, Nr, J, T), jnp.float32),
            pltpu.SemaphoreType.DMA((B,)),
            pltpu.SemaphoreType.DMA((B,)),
        ],
        compiler_params=pltpu.CompilerParams(
            dimension_semantics=("arbitrary",),
            vmem_limit_bytes=100 * 1024 * 1024,
        ),
    )(sxl, sxr)


def _sc_gather(c4, idx_l, idx_r, B, Nl, Nr, J, K, inv_t):
    num_cores = 1
    nw = num_cores * _NUM_SUBCORES
    pairs_per_w = (B * Nl * Nr) // nw
    mesh = plsc.VectorSubcoreMesh(
        core_axis_name="c", subcore_axis_name="s", num_cores=num_cores
    )

    per_w = pairs_per_w * K

    @functools.partial(
        pl.kernel,
        out_type=jax.ShapeDtypeStruct((B * Nl * Nr * K,), jnp.float32),
        mesh=mesh,
        scratch_types=[
            pltpu.VMEM((J, Nr * J), jnp.float32),
            pltpu.VMEM((K,), jnp.int32),
            pltpu.VMEM((K,), jnp.int32),
            pltpu.VMEM((per_w,), jnp.float32),
        ],
        compiler_params=pltpu.CompilerParams(needs_layout_passes=False),
    )
    def k(c4_hbm, il_hbm, ir_hbm, y_hbm, cb_v, il_v, ir_v, out_v):
        wid = lax.axis_index("s") * num_cores + lax.axis_index("c")
        q0 = wid * pairs_per_w
        row_blk = q0 // Nr
        nr0 = q0 - row_blk * Nr
        pltpu.sync_copy(c4_hbm.at[row_blk], cb_v)
        pltpu.sync_copy(il_hbm, il_v)
        pltpu.sync_copy(ir_hbm, ir_v)
        for p_local in range(pairs_per_w):
            col_base = (nr0 + p_local) * J
            for kv in range(K // _LANES):
                il = il_v[pl.ds(kv * _LANES, _LANES)]
                ir = ir_v[pl.ds(kv * _LANES, _LANES)]
                vals = plsc.load_gather(cb_v, [il, col_base + ir])
                out_v[pl.ds(p_local * K + kv * _LANES, _LANES)] = vals * inv_t
        pltpu.sync_copy(out_v, y_hbm.at[pl.ds(wid * per_w, per_w)])

    return k(c4, idx_l, idx_r)


def kernel(sxl, sxr, idx_l, idx_r):
    B, Nl, J, A, T = sxl.shape
    Nr = sxr.shape[1]
    K = idx_l.shape[0]
    c4 = _tc_corr_matmul(sxl, sxr)
    y = _sc_gather(c4, idx_l, idx_r, B, Nl, Nr, J, K, 1.0 / T)
    return y.reshape(B, Nl * Nr, K, 1)

# --- scband reference (transcript-rebuilt; emitter-appended) ---
"""Pipeline reference for scband-correlation-78151224918483 (READ-ONLY COPY).

The authoritative reference and input builder live on the scoring server;
editing this copy changes nothing except your own understanding.
"""

import jax, jax.numpy as jnp
import numpy as np


def setup_inputs(seed: int = 0) -> dict:
    key = jax.random.key(seed)
    k1, k2, k3, k4 = jax.random.split(key, 4)
    B, Nl, Nr, J, A, T, K = 4, 4, 4, 32, 2, 8192, 64
    sxl = jax.random.normal(k1, (B, Nl, J, A, T), dtype=jnp.float32)
    sxr = jax.random.normal(k2, (B, Nr, J, A, T), dtype=jnp.float32)
    idx_l = jax.random.randint(k3, (K,), 0, J, dtype=jnp.int32)
    idx_r = jax.random.randint(k4, (K,), 0, J, dtype=jnp.int32)
    return {"sxl": sxl, "sxr": sxr, "idx_l": idx_l, "idx_r": idx_r}


def reference(sxl, sxr, idx_l, idx_r):
    # Correlation.forward with multivariate=True and TimeAverage (no window).
    # Gather diagonal scale pairs at angle index 0.
    xl = sxl[:, :, idx_l, 0, :]  # B x Nl x K x T
    xr = sxr[:, :, idx_r, 0, :]  # B x Nr x K x T
    Nl = sxl.shape[1]
    Nr = sxr.shape[1]
    # channel product indices (itertools.product over (range(Nl), range(Nr)))
    nl = jnp.repeat(jnp.arange(Nl), Nr)
    nr = jnp.tile(jnp.arange(Nr), Nl)
    xl = xl[:, nl, ...]  # B x (Nl*Nr) x K x T
    xr = xr[:, nr, ...]
    # TimeAverage: mean over last axis, keepdim
    y = jnp.mean(xl * jnp.conj(xr), axis=-1, keepdims=True)
    return y

if __name__ == "__main__":
    import jax
    _d = setup_inputs()
    print(jax.jit(kernel)(*tuple(_d.values())))

</pallas_src>

<mosaic_0001>
#map = affine_map<(d0, d1) -> (0, 0, 0)>
#map1 = affine_map<(d0, d1) -> (0)>
module attributes {stable_mosaic.version = 14 : i64} {
  func.func @k(%arg0: i32, %arg1: i32, %arg2: memref<16x32x128xf32, #tpu.memory_space<hbm>>, %arg3: memref<64xi32, #tpu.memory_space<hbm>>, %arg4: memref<64xi32, #tpu.memory_space<hbm>>, %arg5: memref<4096xf32, #tpu.memory_space<hbm>>, %arg6: memref<32x128xf32, #tpu.memory_space<vmem>>, %arg7: memref<64xi32, #tpu.memory_space<vmem>>, %arg8: memref<64xi32, #tpu.memory_space<vmem>>, %arg9: memref<256xf32, #tpu.memory_space<vmem>>) attributes {dimension_semantics = [#tpu.dimension_semantics<core_parallel>, #tpu.dimension_semantics<subcore_parallel>], iteration_bounds = array<i64: 1, 16>, scalar_prefetch = 0 : i64, scratch_operands = 4 : i64, tpu.core_type = #tpu.core_type<sc_vector_subcore>, window_params = [{transform_indices = #map}, {transform_indices = #map1}, {transform_indices = #map1}, {transform_indices = #map1}]} {
    %mul3A = arith.constant 1 : i32
    %mul3A_0 = arith.muli %arg1, %mul3A : i32
    %add3A = arith.addi %mul3A_0, %arg0 : i32
    %mul3A_1 = arith.constant 4 : i32
    %mul3A_2 = arith.muli %add3A, %mul3A_1 : i32
    %jit3A = arith.constant 4 : i32
    %div3A = arith.divsi %mul3A_2, %jit3A : i32
    %sign3A = arith.constant 0 : i32
    %sign3A_3 = arith.cmpi sgt, %mul3A_2, %sign3A : i32
    %sign3A_4 = arith.extui %sign3A_3 : i1 to i32
    %sign3A_5 = arith.constant 0 : i32
    %sign3A_6 = arith.cmpi slt, %mul3A_2, %sign3A_5 : i32
    %sign3A_7 = arith.extui %sign3A_6 : i1 to i32
    %sign3A_8 = arith.subi %sign3A_4, %sign3A_7 : i32
    %sign3A_9 = arith.constant 0 : i32
    %sign3A_10 = arith.cmpi sgt, %jit3A, %sign3A_9 : i32
    %sign3A_11 = arith.extui %sign3A_10 : i1 to i32
    %sign3A_12 = arith.constant 0 : i32
    %sign3A_13 = arith.cmpi slt, %jit3A, %sign3A_12 : i32
    %sign3A_14 = arith.extui %sign3A_13 : i1 to i32
    %sign3A_15 = arith.subi %sign3A_11, %sign3A_14 : i32
    %ne3A = arith.cmpi ne, %sign3A_8, %sign3A_15 : i32
    %rem3A = arith.remsi %mul3A_2, %jit3A : i32
    %ne3A_16 = arith.constant 0 : i32
    %ne3A_17 = arith.cmpi ne, %rem3A, %ne3A_16 : i32
    %and3A = arith.andi %ne3A, %ne3A_17 : i1
    %sub3A = arith.constant 1 : i32
    %sub3A_18 = arith.subi %div3A, %sub3A : i32
    %select_n3A = arith.select %and3A, %sub3A_18, %div3A : i32
    %mul3A_19 = arith.constant 4 : i32
    %mul3A_20 = arith.muli %select_n3A, %mul3A_19 : i32
    %sub3A_21 = arith.subi %mul3A_2, %mul3A_20 : i32
    "tpu.region"() ({
      %run_scoped3A = tpu.sem_alloc : memref<!tpu.dma_semaphore, #tpu.memory_space<semaphore_mem>>
      %dma_start3A = arith.constant 0 : i32
      %dma_start3A_229 = arith.constant 0 : i32
      %dma_start3A_230 = tpu.memref_slice %arg2[%select_n3A, %dma_start3A, %dma_start3A_229] : memref<16x32x128xf32, #tpu.memory_space<hbm>> -> memref<1x32x128xf32, #tpu.memory_space<hbm>>
      %dma_start3A_231 = tpu.memref_squeeze %dma_start3A_230 : memref<1x32x128xf32, #tpu.memory_space<hbm>> -> memref<32x128xf32, #tpu.memory_space<hbm>>
      %dma_start3A_232 = arith.constant 0 : i32
      %dma_start3A_233 = arith.constant 0 : i32
      %dma_start3A_234 = tpu.memref_slice %arg2[%select_n3A, %dma_start3A_232, %dma_start3A_233] : memref<16x32x128xf32, #tpu.memory_space<hbm>> -> memref<1x32x128xf32, #tpu.memory_space<hbm>>
      %dma_start3A_235 = tpu.memref_squeeze %dma_start3A_234 : memref<1x32x128xf32, #tpu.memory_space<hbm>> -> memref<32x128xf32, #tpu.memory_space<hbm>>
      tpu.enqueue_dma source(%dma_start3A_235 : memref<32x128xf32, #tpu.memory_space<hbm>>) target(%arg6 : memref<32x128xf32, #tpu.memory_space<vmem>>) target_semaphore(%run_scoped3A : memref<!tpu.dma_semaphore, #tpu.memory_space<semaphore_mem>>)
      %dma_wait3A = arith.constant 0 : i32
      %dma_wait3A_236 = arith.constant 0 : i32
      %dma_wait3A_237 = tpu.memref_slice %arg2[%select_n3A, %dma_wait3A, %dma_wait3A_236] : memref<16x32x128xf32, #tpu.memory_space<hbm>> -> memref<1x32x128xf32, #tpu.memory_space<hbm>>
      %dma_wait3A_238 = tpu.memref_squeeze %dma_wait3A_237 : memref<1x32x128xf32, #tpu.memory_space<hbm>> -> memref<32x128xf32, #tpu.memory_space<hbm>>
      %dma_wait3A_239 = arith.constant 0 : i32
      %dma_wait3A_240 = arith.constant 0 : i32
      %dma_wait3A_241 = tpu.memref_slice %arg2[%select_n3A, %dma_wait3A_239, %dma_wait3A_240] : memref<16x32x128xf32, #tpu.memory_space<hbm>> -> memref<1x32x128xf32, #tpu.memory_space<hbm>>
      %dma_wait3A_242 = tpu.memref_squeeze %dma_wait3A_241 : memref<1x32x128xf32, #tpu.memory_space<hbm>> -> memref<32x128xf32, #tpu.memory_space<hbm>>
      tpu.wait_dma2 semaphore(%run_scoped3A : memref<!tpu.dma_semaphore, #tpu.memory_space<semaphore_mem>>) src(%dma_wait3A_242 : memref<32x128xf32, #tpu.memory_space<hbm>>) dst(%arg6 : memref<32x128xf32, #tpu.memory_space<vmem>>)
      tpu.yield
    }) : () -> ()
    "tpu.region"() ({
      %run_scoped3A = tpu.sem_alloc : memref<!tpu.dma_semaphore, #tpu.memory_space<semaphore_mem>>
      tpu.enqueue_dma source(%arg3 : memref<64xi32, #tpu.memory_space<hbm>>) target(%arg7 : memref<64xi32, #tpu.memory_space<vmem>>) target_semaphore(%run_scoped3A : memref<!tpu.dma_semaphore, #tpu.memory_space<semaphore_mem>>)
      tpu.wait_dma2 semaphore(%run_scoped3A : memref<!tpu.dma_semaphore, #tpu.memory_space<semaphore_mem>>) src(%arg3 : memref<64xi32, #tpu.memory_space<hbm>>) dst(%arg7 : memref<64xi32, #tpu.memory_space<vmem>>)
      tpu.yield
    }) : () -> ()
    "tpu.region"() ({
      %run_scoped3A = tpu.sem_alloc : memref<!tpu.dma_semaphore, #tpu.memory_space<semaphore_mem>>
      tpu.enqueue_dma source(%arg4 : memref<64xi32, #tpu.memory_space<hbm>>) target(%arg8 : memref<64xi32, #tpu.memory_space<vmem>>) target_semaphore(%run_scoped3A : memref<!tpu.dma_semaphore, #tpu.memory_space<semaphore_mem>>)
      tpu.wait_dma2 semaphore(%run_scoped3A : memref<!tpu.dma_semaphore, #tpu.memory_space<semaphore_mem>>) src(%arg4 : memref<64xi32, #tpu.memory_space<hbm>>) dst(%arg8 : memref<64xi32, #tpu.memory_space<vmem>>)
      tpu.yield
    }) : () -> ()
    %add3A_22 = arith.constant 0 : i32
    %add3A_23 = arith.addi %sub3A_21, %add3A_22 : i32
    %mul3A_24 = arith.constant 32 : i32
    %mul3A_25 = arith.muli %add3A_23, %mul3A_24 : i32
    %get3A = arith.constant 0 : index
    %get3A_26 = tpu.vector_load %arg7[%get3A] {strides = array<i32>} : memref<64xi32, #tpu.memory_space<vmem>>, vector<16xi32>,
    %get3A_27 = arith.constant 0 : index
    %get3A_28 = tpu.vector_load %arg8[%get3A_27] {strides = array<i32>} : memref<64xi32, #tpu.memory_space<vmem>>, vector<16xi32>,
    %add3A_29 = vector.broadcast %mul3A_25 : i32 to vector<16xi32>
    %add3A_30 = arith.addi %add3A_29, %get3A_28 : vector<16xi32>
    %gather3A = tpu.vector_load_idx %arg6[%get3A_26, %add3A_30] : memref<32x128xf32, #tpu.memory_space<vmem>>[vector<16xi32>, vector<16xi32>], vector<16xf32>,
    %mul3A_31 = arith.constant 1.22070313E-4 : f32
    %mul3A_32 = vector.broadcast %mul3A_31 : f32 to vector<16xf32>
    %mul3A_33 = arith.mulf %gather3A, %mul3A_32 : vector<16xf32>
    %swap3A = arith.constant 0 : index
    %swap3A_34 = tpu.vector_load %arg9[%swap3A] {strides = array<i32>} : memref<256xf32, #tpu.memory_space<vmem>>, vector<16xf32>,
    tpu.vector_store %arg9[%swap3A], %mul3A_33 {strides = array<i32>} : memref<256xf32, #tpu.memory_space<vmem>>, vector<16xf32>,
    %get3A_35 = arith.constant 16 : index
    %get3A_36 = tpu.vector_load %arg7[%get3A_35] {strides = array<i32>} : memref<64xi32, #tpu.memory_space<vmem>>, vector<16xi32>,
    %get3A_37 = arith.constant 16 : index
    %get3A_38 = tpu.vector_load %arg8[%get3A_37] {strides = array<i32>} : memref<64xi32, #tpu.memory_space<vmem>>, vector<16xi32>,
    %add3A_39 = vector.broadcast %mul3A_25 : i32 to vector<16xi32>
    %add3A_40 = arith.addi %add3A_39, %get3A_38 : vector<16xi32>
    %gather3A_41 = tpu.vector_load_idx %arg6[%get3A_36, %add3A_40] : memref<32x128xf32, #tpu.memory_space<vmem>>[vector<16xi32>, vector<16xi32>], vector<16xf32>,
    %mul3A_42 = arith.constant 1.22070313E-4 : f32
    %mul3A_43 = vector.broadcast %mul3A_42 : f32 to vector<16xf32>
    %mul3A_44 = arith.mulf %gather3A_41, %mul3A_43 : vector<16xf32>
    %swap3A_45 = arith.constant 16 : index
    %swap3A_46 = tpu.vector_load %arg9[%swap3A_45] {strides = array<i32>} : memref<256xf32, #tpu.memory_space<vmem>>, vector<16xf32>,
    tpu.vector_store %arg9[%swap3A_45], %mul3A_44 {strides = array<i32>} : memref<256xf32, #tpu.memory_space<vmem>>, vector<16xf32>,
    %get3A_47 = arith.constant 32 : index
    %get3A_48 = tpu.vector_load %arg7[%get3A_47] {strides = array<i32>} : memref<64xi32, #tpu.memory_space<vmem>>, vector<16xi32>,
    %get3A_49 = arith.constant 32 : index
    %get3A_50 = tpu.vector_load %arg8[%get3A_49] {strides = array<i32>} : memref<64xi32, #tpu.memory_space<vmem>>, vector<16xi32>,
    %add3A_51 = vector.broadcast %mul3A_25 : i32 to vector<16xi32>
    %add3A_52 = arith.addi %add3A_51, %get3A_50 : vector<16xi32>
    %gather3A_53 = tpu.vector_load_idx %arg6[%get3A_48, %add3A_52] : memref<32x128xf32, #tpu.memory_space<vmem>>[vector<16xi32>, vector<16xi32>], vector<16xf32>,
    %mul3A_54 = arith.constant 1.22070313E-4 : f32
    %mul3A_55 = vector.broadcast %mul3A_54 : f32 to vector<16xf32>
    %mul3A_56 = arith.mulf %gather3A_53, %mul3A_55 : vector<16xf32>
    %swap3A_57 = arith.constant 32 : index
    %swap3A_58 = tpu.vector_load %arg9[%swap3A_57] {strides = array<i32>} : memref<256xf32, #tpu.memory_space<vmem>>, vector<16xf32>,
    tpu.vector_store %arg9[%swap3A_57], %mul3A_56 {strides = array<i32>} : memref<256xf32, #tpu.memory_space<vmem>>, vector<16xf32>,
    %get3A_59 = arith.constant 48 : index
    %get3A_60 = tpu.vector_load %arg7[%get3A_59] {strides = array<i32>} : memref<64xi32, #tpu.memory_space<vmem>>, vector<16xi32>,
    %get3A_61 = arith.constant 48 : index
    %get3A_62 = tpu.vector_load %arg8[%get3A_61] {strides = array<i32>} : memref<64xi32, #tpu.memory_space<vmem>>, vector<16xi32>,
    %add3A_63 = vector.broadcast %mul3A_25 : i32 to vector<16xi32>
    %add3A_64 = arith.addi %add3A_63, %get3A_62 : vector<16xi32>
    %gather3A_65 = tpu.vector_load_idx %arg6[%get3A_60, %add3A_64] : memref<32x128xf32, #tpu.memory_space<vmem>>[vector<16xi32>, vector<16xi32>], vector<16xf32>,
    %mul3A_66 = arith.constant 1.22070313E-4 : f32
    %mul3A_67 = vector.broadcast %mul3A_66 : f32 to vector<16xf32>
    %mul3A_68 = arith.mulf %gather3A_65, %mul3A_67 : vector<16xf32>
    %swap3A_69 = arith.constant 48 : index
    %swap3A_70 = tpu.vector_load %arg9[%swap3A_69] {strides = array<i32>} : memref<256xf32, #tpu.memory_space<vmem>>, vector<16xf32>,
    tpu.vector_store %arg9[%swap3A_69], %mul3A_68 {strides = array<i32>} : memref<256xf32, #tpu.memory_space<vmem>>, vector<16xf32>,
    %add3A_71 = arith.constant 1 : i32
    %add3A_72 = arith.addi %sub3A_21, %add3A_71 : i32
    %mul3A_73 = arith.constant 32 : i32
    %mul3A_74 = arith.muli %add3A_72, %mul3A_73 : i32
    %get3A_75 = arith.constant 0 : index
    %get3A_76 = tpu.vector_load %arg7[%get3A_75] {strides = array<i32>} : memref<64xi32, #tpu.memory_space<vmem>>, vector<16xi32>,
    %get3A_77 = arith.constant 0 : index
    %get3A_78 = tpu.vector_load %arg8[%get3A_77] {strides = array<i32>} : memref<64xi32, #tpu.memory_space<vmem>>, vector<16xi32>,
    %add3A_79 = vector.broadcast %mul3A_74 : i32 to vector<16xi32>
    %add3A_80 = arith.addi %add3A_79, %get3A_78 : vector<16xi32>
    %gather3A_81 = tpu.vector_load_idx %arg6[%get3A_76, %add3A_80] : memref<32x128xf32, #tpu.memory_space<vmem>>[vector<16xi32>, vector<16xi32>], vector<16xf32>,
    %mul3A_82 = arith.constant 1.22070313E-4 : f32
    %mul3A_83 = vector.broadcast %mul3A_82 : f32 to vector<16xf32>
    %mul3A_84 = arith.mulf %gather3A_81, %mul3A_83 : vector<16xf32>
    %swap3A_85 = arith.constant 64 : index
    %swap3A_86 = tpu.vector_load %arg9[%swap3A_85] {strides = array<i32>} : memref<256xf32, #tpu.memory_space<vmem>>, vector<16xf32>,
    tpu.vector_store %arg9[%swap3A_85], %mul3A_84 {strides = array<i32>} : memref<256xf32, #tpu.memory_space<vmem>>, vector<16xf32>,
    %get3A_87 = arith.constant 16 : index
    %get3A_88 = tpu.vector_load %arg7[%get3A_87] {strides = array<i32>} : memref<64xi32, #tpu.memory_space<vmem>>, vector<16xi32>,
    %get3A_89 = arith.constant 16 : index
    %get3A_90 = tpu.vector_load %arg8[%get3A_89] {strides = array<i32>} : memref<64xi32, #tpu.memory_space<vmem>>, vector<16xi32>,
    %add3A_91 = vector.broadcast %mul3A_74 : i32 to vector<16xi32>
    %add3A_92 = arith.addi %add3A_91, %get3A_90 : vector<16xi32>
    %gather3A_93 = tpu.vector_load_idx %arg6[%get3A_88, %add3A_92] : memref<32x128xf32, #tpu.memory_space<vmem>>[vector<16xi32>, vector<16xi32>], vector<16xf32>,
    %mul3A_94 = arith.constant 1.22070313E-4 : f32
    %mul3A_95 = vector.broadcast %mul3A_94 : f32 to vector<16xf32>
    %mul3A_96 = arith.mulf %gather3A_93, %mul3A_95 : vector<16xf32>
    %swap3A_97 = arith.constant 80 : index
    %swap3A_98 = tpu.vector_load %arg9[%swap3A_97] {strides = array<i32>} : memref<256xf32, #tpu.memory_space<vmem>>, vector<16xf32>,
    tpu.vector_store %arg9[%swap3A_97], %mul3A_96 {strides = array<i32>} : memref<256xf32, #tpu.memory_space<vmem>>, vector<16xf32>,
    %get3A_99 = arith.constant 32 : index
    %get3A_100 = tpu.vector_load %arg7[%get3A_99] {strides = array<i32>} : memref<64xi32, #tpu.memory_space<vmem>>, vector<16xi32>,
    %get3A_101 = arith.constant 32 : index
    %get3A_102 = tpu.vector_load %arg8[%get3A_101] {strides = array<i32>} : memref<64xi32, #tpu.memory_space<vmem>>, vector<16xi32>,
    %add3A_103 = vector.broadcast %mul3A_74 : i32 to vector<16xi32>
    %add3A_104 = arith.addi %add3A_103, %get3A_102 : vector<16xi32>
    %gather3A_105 = tpu.vector_load_idx %arg6[%get3A_100, %add3A_104] : memref<32x128xf32, #tpu.memory_space<vmem>>[vector<16xi32>, vector<16xi32>], vector<16xf32>,
    %mul3A_106 = arith.constant 1.22070313E-4 : f32
    %mul3A_107 = vector.broadcast %mul3A_106 : f32 to vector<16xf32>
    %mul3A_108 = arith.mulf %gather3A_105, %mul3A_107 : vector<16xf32>
    %swap3A_109 = arith.constant 96 : index
    %swap3A_110 = tpu.vector_load %arg9[%swap3A_109] {strides = array<i32>} : memref<256xf32, #tpu.memory_space<vmem>>, vector<16xf32>,
    tpu.vector_store %arg9[%swap3A_109], %mul3A_108 {strides = array<i32>} : memref<256xf32, #tpu.memory_space<vmem>>, vector<16xf32>,
    %get3A_111 = arith.constant 48 : index
    %get3A_112 = tpu.vector_load %arg7[%get3A_111] {strides = array<i32>} : memref<64xi32, #tpu.memory_space<vmem>>, vector<16xi32>,
    %get3A_113 = arith.constant 48 : index
    %get3A_114 = tpu.vector_load %arg8[%get3A_113] {strides = array<i32>} : memref<64xi32, #tpu.memory_space<vmem>>, vector<16xi32>,
    %add3A_115 = vector.broadcast %mul3A_74 : i32 to vector<16xi32>
    %add3A_116 = arith.addi %add3A_115, %get3A_114 : vector<16xi32>
    %gather3A_117 = tpu.vector_load_idx %arg6[%get3A_112, %add3A_116] : memref<32x128xf32, #tpu.memory_space<vmem>>[vector<16xi32>, vector<16xi32>], vector<16xf32>,
    %mul3A_118 = arith.constant 1.22070313E-4 : f32
    %mul3A_119 = vector.broadcast %mul3A_118 : f32 to vector<16xf32>
    %mul3A_120 = arith.mulf %gather3A_117, %mul3A_119 : vector<16xf32>
    %swap3A_121 = arith.constant 112 : index
    %swap3A_122 = tpu.vector_load %arg9[%swap3A_121] {strides = array<i32>} : memref<256xf32, #tpu.memory_space<vmem>>, vector<16xf32>,
    tpu.vector_store %arg9[%swap3A_121], %mul3A_120 {strides = array<i32>} : memref<256xf32, #tpu.memory_space<vmem>>, vector<16xf32>,
    %add3A_123 = arith.constant 2 : i32
    %add3A_124 = arith.addi %sub3A_21, %add3A_123 : i32
    %mul3A_125 = arith.constant 32 : i32
    %mul3A_126 = arith.muli %add3A_124, %mul3A_125 : i32
    %get3A_127 = arith.constant 0 : index
    %get3A_128 = tpu.vector_load %arg7[%get3A_127] {strides = array<i32>} : memref<64xi32, #tpu.memory_space<vmem>>, vector<16xi32>,
    %get3A_129 = arith.constant 0 : index
    %get3A_130 = tpu.vector_load %arg8[%get3A_129] {strides = array<i32>} : memref<64xi32, #tpu.memory_space<vmem>>, vector<16xi32>,
    %add3A_131 = vector.broadcast %mul3A_126 : i32 to vector<16xi32>
    %add3A_132 = arith.addi %add3A_131, %get3A_130 : vector<16xi32>
    %gather3A_133 = tpu.vector_load_idx %arg6[%get3A_128, %add3A_132] : memref<32x128xf32, #tpu.memory_space<vmem>>[vector<16xi32>, vector<16xi32>], vector<16xf32>,
    %mul3A_134 = arith.constant 1.22070313E-4 : f32
    %mul3A_135 = vector.broadcast %mul3A_134 : f32 to vector<16xf32>
    %mul3A_136 = arith.mulf %gather3A_133, %mul3A_135 : vector<16xf32>
    %swap3A_137 = arith.constant 128 : index
    %swap3A_138 = tpu.vector_load %arg9[%swap3A_137] {strides = array<i32>} : memref<256xf32, #tpu.memory_space<vmem>>, vector<16xf32>,
    tpu.vector_store %arg9[%swap3A_137], %mul3A_136 {strides = array<i32>} : memref<256xf32, #tpu.memory_space<vmem>>, vector<16xf32>,
    %get3A_139 = arith.constant 16 : index
    %get3A_140 = tpu.vector_load %arg7[%get3A_139] {strides = array<i32>} : memref<64xi32, #tpu.memory_space<vmem>>, vector<16xi32>,
    %get3A_141 = arith.constant 16 : index
    %get3A_142 = tpu.vector_load %arg8[%get3A_141] {strides = array<i32>} : memref<64xi32, #tpu.memory_space<vmem>>, vector<16xi32>,
    %add3A_143 = vector.broadcast %mul3A_126 : i32 to vector<16xi32>
    %add3A_144 = arith.addi %add3A_143, %get3A_142 : vector<16xi32>
    %gather3A_145 = tpu.vector_load_idx %arg6[%get3A_140, %add3A_144] : memref<32x128xf32, #tpu.memory_space<vmem>>[vector<16xi32>, vector<16xi32>], vector<16xf32>,
    %mul3A_146 = arith.constant 1.22070313E-4 : f32
    %mul3A_147 = vector.broadcast %mul3A_146 : f32 to vector<16xf32>
    %mul3A_148 = arith.mulf %gather3A_145, %mul3A_147 : vector<16xf32>
    %swap3A_149 = arith.constant 144 : index
    %swap3A_150 = tpu.vector_load %arg9[%swap3A_149] {strides = array<i32>} : memref<256xf32, #tpu.memory_space<vmem>>, vector<16xf32>,
    tpu.vector_store %arg9[%swap3A_149], %mul3A_148 {strides = array<i32>} : memref<256xf32, #tpu.memory_space<vmem>>, vector<16xf32>,
    %get3A_151 = arith.constant 32 : index
    %get3A_152 = tpu.vector_load %arg7[%get3A_151] {strides = array<i32>} : memref<64xi32, #tpu.memory_space<vmem>>, vector<16xi32>,
    %get3A_153 = arith.constant 32 : index
    %get3A_154 = tpu.vector_load %arg8[%get3A_153] {strides = array<i32>} : memref<64xi32, #tpu.memory_space<vmem>>, vector<16xi32>,
    %add3A_155 = vector.broadcast %mul3A_126 : i32 to vector<16xi32>
    %add3A_156 = arith.addi %add3A_155, %get3A_154 : vector<16xi32>
    %gather3A_157 = tpu.vector_load_idx %arg6[%get3A_152, %add3A_156] : memref<32x128xf32, #tpu.memory_space<vmem>>[vector<16xi32>, vector<16xi32>], vector<16xf32>,
    %mul3A_158 = arith.constant 1.22070313E-4 : f32
    %mul3A_159 = vector.broadcast %mul3A_158 : f32 to vector<16xf32>
    %mul3A_160 = arith.mulf %gather3A_157, %mul3A_159 : vector<16xf32>
    %swap3A_161 = arith.constant 160 : index
    %swap3A_162 = tpu.vector_load %arg9[%swap3A_161] {strides = array<i32>} : memref<256xf32, #tpu.memory_space<vmem>>, vector<16xf32>,
    tpu.vector_store %arg9[%swap3A_161], %mul3A_160 {strides = array<i32>} : memref<256xf32, #tpu.memory_space<vmem>>, vector<16xf32>,
    %get3A_163 = arith.constant 48 : index
    %get3A_164 = tpu.vector_load %arg7[%get3A_163] {strides = array<i32>} : memref<64xi32, #tpu.memory_space<vmem>>, vector<16xi32>,
    %get3A_165 = arith.constant 48 : index
    %get3A_166 = tpu.vector_load %arg8[%get3A_165] {strides = array<i32>} : memref<64xi32, #tpu.memory_space<vmem>>, vector<16xi32>,
    %add3A_167 = vector.broadcast %mul3A_126 : i32 to vector<16xi32>
    %add3A_168 = arith.addi %add3A_167, %get3A_166 : vector<16xi32>
    %gather3A_169 = tpu.vector_load_idx %arg6[%get3A_164, %add3A_168] : memref<32x128xf32, #tpu.memory_space<vmem>>[vector<16xi32>, vector<16xi32>], vector<16xf32>,
    %mul3A_170 = arith.constant 1.22070313E-4 : f32
    %mul3A_171 = vector.broadcast %mul3A_170 : f32 to vector<16xf32>
    %mul3A_172 = arith.mulf %gather3A_169, %mul3A_171 : vector<16xf32>
    %swap3A_173 = arith.constant 176 : index
    %swap3A_174 = tpu.vector_load %arg9[%swap3A_173] {strides = array<i32>} : memref<256xf32, #tpu.memory_space<vmem>>, vector<16xf32>,
    tpu.vector_store %arg9[%swap3A_173], %mul3A_172 {strides = array<i32>} : memref<256xf32, #tpu.memory_space<vmem>>, vector<16xf32>,
    %add3A_175 = arith.constant 3 : i32
    %add3A_176 = arith.addi %sub3A_21, %add3A_175 : i32
    %mul3A_177 = arith.constant 32 : i32
    %mul3A_178 = arith.muli %add3A_176, %mul3A_177 : i32
    %get3A_179 = arith.constant 0 : index
    %get3A_180 = tpu.vector_load %arg7[%get3A_179] {strides = array<i32>} : memref<64xi32, #tpu.memory_space<vmem>>, vector<16xi32>,
    %get3A_181 = arith.constant 0 : index
    %get3A_182 = tpu.vector_load %arg8[%get3A_181] {strides = array<i32>} : memref<64xi32, #tpu.memory_space<vmem>>, vector<16xi32>,
    %add3A_183 = vector.broadcast %mul3A_178 : i32 to vector<16xi32>
    %add3A_184 = arith.addi %add3A_183, %get3A_182 : vector<16xi32>
    %gather3A_185 = tpu.vector_load_idx %arg6[%get3A_180, %add3A_184] : memref<32x128xf32, #tpu.memory_space<vmem>>[vector<16xi32>, vector<16xi32>], vector<16xf32>,
    %mul3A_186 = arith.constant 1.22070313E-4 : f32
    %mul3A_187 = vector.broadcast %mul3A_186 : f32 to vector<16xf32>
    %mul3A_188 = arith.mulf %gather3A_185, %mul3A_187 : vector<16xf32>
    %swap3A_189 = arith.constant 192 : index
    %swap3A_190 = tpu.vector_load %arg9[%swap3A_189] {strides = array<i32>} : memref<256xf32, #tpu.memory_space<vmem>>, vector<16xf32>,
    tpu.vector_store %arg9[%swap3A_189], %mul3A_188 {strides = array<i32>} : memref<256xf32, #tpu.memory_space<vmem>>, vector<16xf32>,
    %get3A_191 = arith.constant 16 : index
    %get3A_192 = tpu.vector_load %arg7[%get3A_191] {strides = array<i32>} : memref<64xi32, #tpu.memory_space<vmem>>, vector<16xi32>,
    %get3A_193 = arith.constant 16 : index
    %get3A_194 = tpu.vector_load %arg8[%get3A_193] {strides = array<i32>} : memref<64xi32, #tpu.memory_space<vmem>>, vector<16xi32>,
    %add3A_195 = vector.broadcast %mul3A_178 : i32 to vector<16xi32>
    %add3A_196 = arith.addi %add3A_195, %get3A_194 : vector<16xi32>
    %gather3A_197 = tpu.vector_load_idx %arg6[%get3A_192, %add3A_196] : memref<32x128xf32, #tpu.memory_space<vmem>>[vector<16xi32>, vector<16xi32>], vector<16xf32>,
    %mul3A_198 = arith.constant 1.22070313E-4 : f32
    %mul3A_199 = vector.broadcast %mul3A_198 : f32 to vector<16xf32>
    %mul3A_200 = arith.mulf %gather3A_197, %mul3A_199 : vector<16xf32>
    %swap3A_201 = arith.constant 208 : index
    %swap3A_202 = tpu.vector_load %arg9[%swap3A_201] {strides = array<i32>} : memref<256xf32, #tpu.memory_space<vmem>>, vector<16xf32>,
    tpu.vector_store %arg9[%swap3A_201], %mul3A_200 {strides = array<i32>} : memref<256xf32, #tpu.memory_space<vmem>>, vector<16xf32>,
    %get3A_203 = arith.constant 32 : index
    %get3A_204 = tpu.vector_load %arg7[%get3A_203] {strides = array<i32>} : memref<64xi32, #tpu.memory_space<vmem>>, vector<16xi32>,
    %get3A_205 = arith.constant 32 : index
    %get3A_206 = tpu.vector_load %arg8[%get3A_205] {strides = array<i32>} : memref<64xi32, #tpu.memory_space<vmem>>, vector<16xi32>,
    %add3A_207 = vector.broadcast %mul3A_178 : i32 to vector<16xi32>
    %add3A_208 = arith.addi %add3A_207, %get3A_206 : vector<16xi32>
    %gather3A_209 = tpu.vector_load_idx %arg6[%get3A_204, %add3A_208] : memref<32x128xf32, #tpu.memory_space<vmem>>[vector<16xi32>, vector<16xi32>], vector<16xf32>,
    %mul3A_210 = arith.constant 1.22070313E-4 : f32
    %mul3A_211 = vector.broadcast %mul3A_210 : f32 to vector<16xf32>
    %mul3A_212 = arith.mulf %gather3A_209, %mul3A_211 : vector<16xf32>
    %swap3A_213 = arith.constant 224 : index
    %swap3A_214 = tpu.vector_load %arg9[%swap3A_213] {strides = array<i32>} : memref<256xf32, #tpu.memory_space<vmem>>, vector<16xf32>,
    tpu.vector_store %arg9[%swap3A_213], %mul3A_212 {strides = array<i32>} : memref<256xf32, #tpu.memory_space<vmem>>, vector<16xf32>,
    %get3A_215 = arith.constant 48 : index
    %get3A_216 = tpu.vector_load %arg7[%get3A_215] {strides = array<i32>} : memref<64xi32, #tpu.memory_space<vmem>>, vector<16xi32>,
    %get3A_217 = arith.constant 48 : index
    %get3A_218 = tpu.vector_load %arg8[%get3A_217] {strides = array<i32>} : memref<64xi32, #tpu.memory_space<vmem>>, vector<16xi32>,
    %add3A_219 = vector.broadcast %mul3A_178 : i32 to vector<16xi32>
    %add3A_220 = arith.addi %add3A_219, %get3A_218 : vector<16xi32>
    %gather3A_221 = tpu.vector_load_idx %arg6[%get3A_216, %add3A_220] : memref<32x128xf32, #tpu.memory_space<vmem>>[vector<16xi32>, vector<16xi32>], vector<16xf32>,
    %mul3A_222 = arith.constant 1.22070313E-4 : f32
    %mul3A_223 = vector.broadcast %mul3A_222 : f32 to vector<16xf32>
    %mul3A_224 = arith.mulf %gather3A_221, %mul3A_223 : vector<16xf32>
    %swap3A_225 = arith.constant 240 : index
    %swap3A_226 = tpu.vector_load %arg9[%swap3A_225] {strides = array<i32>} : memref<256xf32, #tpu.memory_space<vmem>>, vector<16xf32>,
    tpu.vector_store %arg9[%swap3A_225], %mul3A_224 {strides = array<i32>} : memref<256xf32, #tpu.memory_space<vmem>>, vector<16xf32>,
    %mul3A_227 = arith.constant 256 : i32
    %mul3A_228 = arith.muli %add3A, %mul3A_227 : i32
    "tpu.region"() ({
      %run_scoped3A = tpu.sem_alloc : memref<!tpu.dma_semaphore, #tpu.memory_space<semaphore_mem>>
      %dma_start3A = tpu.memref_slice %arg5[%mul3A_228] : memref<4096xf32, #tpu.memory_space<hbm>> -> memref<256xf32, #tpu.memory_space<hbm>>
      %dma_start3A_229 = tpu.memref_slice %arg5[%mul3A_228] : memref<4096xf32, #tpu.memory_space<hbm>> -> memref<256xf32, #tpu.memory_space<hbm>>
      tpu.enqueue_dma source(%arg9 : memref<256xf32, #tpu.memory_space<vmem>>) target(%dma_start3A_229 : memref<256xf32, #tpu.memory_space<hbm>>) target_semaphore(%run_scoped3A : memref<!tpu.dma_semaphore, #tpu.memory_space<semaphore_mem>>)
      %dma_wait3A = tpu.memref_slice %arg5[%mul3A_228] : memref<4096xf32, #tpu.memory_space<hbm>> -> memref<256xf32, #tpu.memory_space<hbm>>
      %dma_wait3A_230 = tpu.memref_slice %arg5[%mul3A_228] : memref<4096xf32, #tpu.memory_space<hbm>> -> memref<256xf32, #tpu.memory_space<hbm>>
      tpu.wait_dma2 semaphore(%run_scoped3A : memref<!tpu.dma_semaphore, #tpu.memory_space<semaphore_mem>>) src(%arg9 : memref<256xf32, #tpu.memory_space<vmem>>) dst(%dma_wait3A_230 : memref<256xf32, #tpu.memory_space<hbm>>)
      tpu.yield
    }) : () -> ()
    return
  }
}

module attributes {stable_mosaic.version = 14 : i64} {
  func.func @body(%arg0: i32, %arg1: memref<4x4x32x2x8192xf32, #tpu.memory_space<any>>, %arg2: memref<4x4x32x2x8192xf32, #tpu.memory_space<any>>, %arg3: memref<4x32x128xf32, #tpu.memory_space<vmem>>, %arg4: memref<4x4x32x8192xf32, #tpu.memory_space<vmem>>, %arg5: memref<4x4x32x8192xf32, #tpu.memory_space<vmem>>, %arg6: memref<4x!tpu.dma_semaphore, #tpu.memory_space<semaphore_mem>>, %arg7: memref<4x!tpu.dma_semaphore, #tpu.memory_space<semaphore_mem>>) attributes {dimension_semantics = [#tpu.dimension_semantics<arbitrary>], iteration_bounds = array<i64: 4>, scalar_prefetch = 0 : i64, scratch_operands = 4 : i64, tpu.core_type = #tpu.core_type<tc>, window_params = [{}, {}, {transform_indices = @transform_2, window_bounds = array<i64: 4, 32, 128>}]} {
    %eq3A = arith.constant 0 : i32
    %eq3A_0 = arith.cmpi eq, %arg0, %eq3A : i32
    %convert_element_type3A = arith.extui %eq3A_0 : i1 to i32
    %cond3A = arith.constant 0 : i32
    %cond3A_1 = arith.cmpi ne, %convert_element_type3A, %cond3A : i32
    scf.if %cond3A_1 {
      %dma_start3A = arith.constant 0 : i32
      %dma_start3A_86 = arith.constant 0 : i32
      %dma_start3A_87 = arith.constant 0 : i32
      %dma_start3A_88 = arith.constant 0 : i32
      %dma_start3A_89 = tpu.memref_slice %arg6[%dma_start3A_88] : memref<4x!tpu.dma_semaphore, #tpu.memory_space<semaphore_mem>> -> memref<1x!tpu.dma_semaphore, #tpu.memory_space<semaphore_mem>>
      %dma_start3A_90 = tpu.memref_squeeze %dma_start3A_89 : memref<1x!tpu.dma_semaphore, #tpu.memory_space<semaphore_mem>> -> memref<!tpu.dma_semaphore, #tpu.memory_space<semaphore_mem>>
      %dma_start3A_91 = arith.constant 0 : i32
      %dma_start3A_92 = arith.constant 0 : i32
      %dma_start3A_93 = arith.constant 0 : i32
      %dma_start3A_94 = tpu.memref_slice %arg4[%dma_start3A_87, %dma_start3A_91, %dma_start3A_92, %dma_start3A_93] : memref<4x4x32x8192xf32, #tpu.memory_space<vmem>> -> memref<1x4x32x8192xf32, #tpu.memory_space<vmem>>
      %dma_start3A_95 = tpu.memref_squeeze %dma_start3A_94 : memref<1x4x32x8192xf32, #tpu.memory_space<vmem>> -> memref<4x32x8192xf32, #tpu.memory_space<vmem>>
      %dma_start3A_96 = arith.constant 0 : i32
      %dma_start3A_97 = arith.constant 0 : i32
      %dma_start3A_98 = arith.constant 0 : i32
      %dma_start3A_99 = tpu.memref_slice %arg1[%dma_start3A, %dma_start3A_96, %dma_start3A_97, %dma_start3A_86, %dma_start3A_98] : memref<4x4x32x2x8192xf32, #tpu.memory_space<any>> -> memref<1x4x32x1x8192xf32, #tpu.memory_space<any>>
      %dma_start3A_100 = tpu.memref_squeeze %dma_start3A_99 : memref<1x4x32x1x8192xf32, #tpu.memory_space<any>> -> memref<4x32x8192xf32, #tpu.memory_space<any>>
      tpu.enqueue_dma source(%dma_start3A_100 : memref<4x32x8192xf32, #tpu.memory_space<any>>) target(%dma_start3A_95 : memref<4x32x8192xf32, #tpu.memory_space<vmem>>) target_semaphore(%dma_start3A_90 : memref<!tpu.dma_semaphore, #tpu.memory_space<semaphore_mem>>)
      %dma_start3A_101 = arith.constant 0 : i32
      %dma_start3A_102 = arith.constant 0 : i32
      %dma_start3A_103 = arith.constant 0 : i32
      %dma_start3A_104 = arith.constant 0 : i32
      %dma_start3A_105 = tpu.memref_slice %arg7[%dma_start3A_104] : memref<4x!tpu.dma_semaphore, #tpu.memory_space<semaphore_mem>> -> memref<1x!tpu.dma_semaphore, #tpu.memory_space<semaphore_mem>>
      %dma_start3A_106 = tpu.memref_squeeze %dma_start3A_105 : memref<1x!tpu.dma_semaphore, #tpu.memory_space<semaphore_mem>> -> memref<!tpu.dma_semaphore, #tpu.memory_space<semaphore_mem>>
      %dma_start3A_107 = arith.constant 0 : i32
      %dma_start3A_108 = arith.constant 0 : i32
      %dma_start3A_109 = arith.constant 0 : i32
      %dma_start3A_110 = tpu.memref_slice %arg5[%dma_start3A_103, %dma_start3A_107, %dma_start3A_108, %dma_start3A_109] : memref<4x4x32x8192xf32, #tpu.memory_space<vmem>> -> memref<1x4x32x8192xf32, #tpu.memory_space<vmem>>
      %dma_start3A_111 = tpu.memref_squeeze %dma_start3A_110 : memref<1x4x32x8192xf32, #tpu.memory_space<vmem>> -> memref<4x32x8192xf32, #tpu.memory_space<vmem>>
      %dma_start3A_112 = arith.constant 0 : i32
      %dma_start3A_113 = arith.constant 0 : i32
      %dma_start3A_114 = arith.constant 0 : i32
      %dma_start3A_115 = tpu.memref_slice %arg2[%dma_start3A_101, %dma_start3A_112, %dma_start3A_113, %dma_start3A_102, %dma_start3A_114] : memref<4x4x32x2x8192xf32, #tpu.memory_space<any>> -> memref<1x4x32x1x8192xf32, #tpu.memory_space<any>>
      %dma_start3A_116 = tpu.memref_squeeze %dma_start3A_115 : memref<1x4x32x1x8192xf32, #tpu.memory_space<any>> -> memref<4x32x8192xf32, #tpu.memory_space<any>>
      tpu.enqueue_dma source(%dma_start3A_116 : memref<4x32x8192xf32, #tpu.memory_space<any>>) target(%dma_start3A_111 : memref<4x32x8192xf32, #tpu.memory_space<vmem>>) target_semaphore(%dma_start3A_106 : memref<!tpu.dma_semaphore, #tpu.memory_space<semaphore_mem>>)
      %dma_start3A_117 = arith.constant 1 : i32
      %dma_start3A_118 = arith.constant 0 : i32
      %dma_start3A_119 = arith.constant 1 : i32
      %dma_start3A_120 = arith.constant 1 : i32
      %dma_start3A_121 = tpu.memref_slice %arg6[%dma_start3A_120] : memref<4x!tpu.dma_semaphore, #tpu.memory_space<semaphore_mem>> -> memref<1x!tpu.dma_semaphore, #tpu.memory_space<semaphore_mem>>
      %dma_start3A_122 = tpu.memref_squeeze %dma_start3A_121 : memref<1x!tpu.dma_semaphore, #tpu.memory_space<semaphore_mem>> -> memref<!tpu.dma_semaphore, #tpu.memory_space<semaphore_mem>>
      %dma_start3A_123 = arith.constant 0 : i32
      %dma_start3A_124 = arith.constant 0 : i32
      %dma_start3A_125 = arith.constant 0 : i32
      %dma_start3A_126 = tpu.memref_slice %arg4[%dma_start3A_119, %dma_start3A_123, %dma_start3A_124, %dma_start3A_125] : memref<4x4x32x8192xf32, #tpu.memory_space<vmem>> -> memref<1x4x32x8192xf32, #tpu.memory_space<vmem>>
      %dma_start3A_127 = tpu.memref_squeeze %dma_start3A_126 : memref<1x4x32x8192xf32, #tpu.memory_space<vmem>> -> memref<4x32x8192xf32, #tpu.memory_space<vmem>>
      %dma_start3A_128 = arith.constant 0 : i32
      %dma_start3A_129 = arith.constant 0 : i32
      %dma_start3A_130 = arith.constant 0 : i32
      %dma_start3A_131 = tpu.memref_slice %arg1[%dma_start3A_117, %dma_start3A_128, %dma_start3A_129, %dma_start3A_118, %dma_start3A_130] : memref<4x4x32x2x8192xf32, #tpu.memory_space<any>> -> memref<1x4x32x1x8192xf32, #tpu.memory_space<any>>
      %dma_start3A_132 = tpu.memref_squeeze %dma_start3A_131 : memref<1x4x32x1x8192xf32, #tpu.memory_space<any>> -> memref<4x32x8192xf32, #tpu.memory_space<any>>
      tpu.enqueue_dma source(%dma_start3A_132 : memref<4x32x8192xf32, #tpu.memory_space<any>>) target(%dma_start3A_127 : memref<4x32x8192xf32, #tpu.memory_space<vmem>>) target_semaphore(%dma_start3A_122 : memref<!tpu.dma_semaphore, #tpu.memory_space<semaphore_mem>>)
      %dma_start3A_133 = arith.constant 1 : i32
      %dma_start3A_134 = arith.constant 0 : i32
      %dma_start3A_135 = arith.constant 1 : i32
      %dma_start3A_136 = arith.constant 1 : i32
      %dma_start3A_137 = tpu.memref_slice %arg7[%dma_start3A_136] : memref<4x!tpu.dma_semaphore, #tpu.memory_space<semaphore_mem>> -> memref<1x!tpu.dma_semaphore, #tpu.memory_space<semaphore_mem>>
      %dma_start3A_138 = tpu.memref_squeeze %dma_start3A_137 : memref<1x!tpu.dma_semaphore, #tpu.memory_space<semaphore_mem>> -> memref<!tpu.dma_semaphore, #tpu.memory_space<semaphore_mem>>
      %dma_start3A_139 = arith.constant 0 : i32
      %dma_start3A_140 = arith.constant 0 : i32
      %dma_start3A_141 = arith.constant 0 : i32
      %dma_start3A_142 = tpu.memref_slice %arg5[%dma_start3A_135, %dma_start3A_139, %dma_start3A_140, %dma_start3A_141] : memref<4x4x32x8192xf32, #tpu.memory_space<vmem>> -> memref<1x4x32x8192xf32, #tpu.memory_space<vmem>>
      %dma_start3A_143 = tpu.memref_squeeze %dma_start3A_142 : memref<1x4x32x8192xf32, #tpu.memory_space<vmem>> -> memref<4x32x8192xf32, #tpu.memory_space<vmem>>
      %dma_start3A_144 = arith.constant 0 : i32
      %dma_start3A_145 = arith.constant 0 : i32
      %dma_start3A_146 = arith.constant 0 : i32
      %dma_start3A_147 = tpu.memref_slice %arg2[%dma_start3A_133, %dma_start3A_144, %dma_start3A_145, %dma_start3A_134, %dma_start3A_146] : memref<4x4x32x2x8192xf32, #tpu.memory_space<any>> -> memref<1x4x32x1x8192xf32, #tpu.memory_space<any>>
      %dma_start3A_148 = tpu.memref_squeeze %dma_start3A_147 : memref<1x4x32x1x8192xf32, #tpu.memory_space<any>> -> memref<4x32x8192xf32, #tpu.memory_space<any>>
      tpu.enqueue_dma source(%dma_start3A_148 : memref<4x32x8192xf32, #tpu.memory_space<any>>) target(%dma_start3A_143 : memref<4x32x8192xf32, #tpu.memory_space<vmem>>) target_semaphore(%dma_start3A_138 : memref<!tpu.dma_semaphore, #tpu.memory_space<semaphore_mem>>)
      %dma_start3A_149 = arith.constant 2 : i32
      %dma_start3A_150 = arith.constant 0 : i32
      %dma_start3A_151 = arith.constant 2 : i32
      %dma_start3A_152 = arith.constant 2 : i32
      %dma_start3A_153 = tpu.memref_slice %arg6[%dma_start3A_152] : memref<4x!tpu.dma_semaphore, #tpu.memory_space<semaphore_mem>> -> memref<1x!tpu.dma_semaphore, #tpu.memory_space<semaphore_mem>>
      %dma_start3A_154 = tpu.memref_squeeze %dma_start3A_153 : memref<1x!tpu.dma_semaphore, #tpu.memory_space<semaphore_mem>> -> memref<!tpu.dma_semaphore, #tpu.memory_space<semaphore_mem>>
      %dma_start3A_155 = arith.constant 0 : i32
      %dma_start3A_156 = arith.constant 0 : i32
      %dma_start3A_157 = arith.constant 0 : i32
      %dma_start3A_158 = tpu.memref_slice %arg4[%dma_start3A_151, %dma_start3A_155, %dma_start3A_156, %dma_start3A_157] : memref<4x4x32x8192xf32, #tpu.memory_space<vmem>> -> memref<1x4x32x8192xf32, #tpu.memory_space<vmem>>
      %dma_start3A_159 = tpu.memref_squeeze %dma_start3A_158 : memref<1x4x32x8192xf32, #tpu.memory_space<vmem>> -> memref<4x32x8192xf32, #tpu.memory_space<vmem>>
      %dma_start3A_160 = arith.constant 0 : i32
      %dma_start3A_161 = arith.constant 0 : i32
      %dma_start3A_162 = arith.constant 0 : i32
      %dma_start3A_163 = tpu.memref_slice %arg1[%dma_start3A_149, %dma_start3A_160, %dma_start3A_161, %dma_start3A_150, %dma_start3A_162] : memref<4x4x32x2x8192xf32, #tpu.memory_space<any>> -> memref<1x4x32x1x8192xf32, #tpu.memory_space<any>>
      %dma_start3A_164 = tpu.memref_squeeze %dma_start3A_163 : memref<1x4x32x1x8192xf32, #tpu.memory_space<any>> -> memref<4x32x8192xf32, #tpu.memory_space<any>>
      tpu.enqueue_dma source(%dma_start3A_164 : memref<4x32x8192xf32, #tpu.memory_space<any>>) target(%dma_start3A_159 : memref<4x32x8192xf32, #tpu.memory_space<vmem>>) target_semaphore(%dma_start3A_154 : memref<!tpu.dma_semaphore, #tpu.memory_space<semaphore_mem>>)
      %dma_start3A_165 = arith.constant 2 : i32
      %dma_start3A_166 = arith.constant 0 : i32
      %dma_start3A_167 = arith.constant 2 : i32
      %dma_start3A_168 = arith.constant 2 : i32
      %dma_start3A_169 = tpu.memref_slice %arg7[%dma_start3A_168] : memref<4x!tpu.dma_semaphore, #tpu.memory_space<semaphore_mem>> -> memref<1x!tpu.dma_semaphore, #tpu.memory_space<semaphore_mem>>
      %dma_start3A_170 = tpu.memref_squeeze %dma_start3A_169 : memref<1x!tpu.dma_semaphore, #tpu.memory_space<semaphore_mem>> -> memref<!tpu.dma_semaphore, #tpu.memory_space<semaphore_mem>>
      %dma_start3A_171 = arith.constant 0 : i32
      %dma_start3A_172 = arith.constant 0 : i32
      %dma_start3A_173 = arith.constant 0 : i32
      %dma_start3A_174 = tpu.memref_slice %arg5[%dma_start3A_167, %dma_start3A_171, %dma_start3A_172, %dma_start3A_173] : memref<4x4x32x8192xf32, #tpu.memory_space<vmem>> -> memref<1x4x32x8192xf32, #tpu.memory_space<vmem>>
      %dma_start3A_175 = tpu.memref_squeeze %dma_start3A_174 : memref<1x4x32x8192xf32, #tpu.memory_space<vmem>> -> memref<4x32x8192xf32, #tpu.memory_space<vmem>>
      %dma_start3A_176 = arith.constant 0 : i32
      %dma_start3A_177 = arith.constant 0 : i32
      %dma_start3A_178 = arith.constant 0 : i32
      %dma_start3A_179 = tpu.memref_slice %arg2[%dma_start3A_165, %dma_start3A_176, %dma_start3A_177, %dma_start3A_166, %dma_start3A_178] : memref<4x4x32x2x8192xf32, #tpu.memory_space<any>> -> memref<1x4x32x1x8192xf32, #tpu.memory_space<any>>
      %dma_start3A_180 = tpu.memref_squeeze %dma_start3A_179 : memref<1x4x32x1x8192xf32, #tpu.memory_space<any>> -> memref<4x32x8192xf32, #tpu.memory_space<any>>
      tpu.enqueue_dma source(%dma_start3A_180 : memref<4x32x8192xf32, #tpu.memory_space<any>>) target(%dma_start3A_175 : memref<4x32x8192xf32, #tpu.memory_space<vmem>>) target_semaphore(%dma_start3A_170 : memref<!tpu.dma_semaphore, #tpu.memory_space<semaphore_mem>>)
      %dma_start3A_181 = arith.constant 3 : i32
      %dma_start3A_182 = arith.constant 0 : i32
      %dma_start3A_183 = arith.constant 3 : i32
      %dma_start3A_184 = arith.constant 3 : i32
      %dma_start3A_185 = tpu.memref_slice %arg6[%dma_start3A_184] : memref<4x!tpu.dma_semaphore, #tpu.memory_space<semaphore_mem>> -> memref<1x!tpu.dma_semaphore, #tpu.memory_space<semaphore_mem>>
      %dma_start3A_186 = tpu.memref_squeeze %dma_start3A_185 : memref<1x!tpu.dma_semaphore, #tpu.memory_space<semaphore_mem>> -> memref<!tpu.dma_semaphore, #tpu.memory_space<semaphore_mem>>
      %dma_start3A_187 = arith.constant 0 : i32
      %dma_start3A_188 = arith.constant 0 : i32
      %dma_start3A_189 = arith.constant 0 : i32
      %dma_start3A_190 = tpu.memref_slice %arg4[%dma_start3A_183, %dma_start3A_187, %dma_start3A_188, %dma_start3A_189] : memref<4x4x32x8192xf32, #tpu.memory_space<vmem>> -> memref<1x4x32x8192xf32, #tpu.memory_space<vmem>>
      %dma_start3A_191 = tpu.memref_squeeze %dma_start3A_190 : memref<1x4x32x8192xf32, #tpu.memory_space<vmem>> -> memref<4x32x8192xf32, #tpu.memory_space<vmem>>
      %dma_start3A_192 = arith.constant 0 : i32
      %dma_start3A_193 = arith.constant 0 : i32
      %dma_start3A_194 = arith.constant 0 : i32
      %dma_start3A_195 = tpu.memref_slice %arg1[%dma_start3A_181, %dma_start3A_192, %dma_start3A_193, %dma_start3A_182, %dma_start3A_194] : memref<4x4x32x2x8192xf32, #tpu.memory_space<any>> -> memref<1x4x32x1x8192xf32, #tpu.memory_space<any>>
      %dma_start3A_196 = tpu.memref_squeeze %dma_start3A_195 : memref<1x4x32x1x8192xf32, #tpu.memory_space<any>> -> memref<4x32x8192xf32, #tpu.memory_space<any>>
      tpu.enqueue_dma source(%dma_start3A_196 : memref<4x32x8192xf32, #tpu.memory_space<any>>) target(%dma_start3A_191 : memref<4x32x8192xf32, #tpu.memory_space<vmem>>) target_semaphore(%dma_start3A_186 : memref<!tpu.dma_semaphore, #tpu.memory_space<semaphore_mem>>)
      %dma_start3A_197 = arith.constant 3 : i32
      %dma_start3A_198 = arith.constant 0 : i32
      %dma_start3A_199 = arith.constant 3 : i32
      %dma_start3A_200 = arith.constant 3 : i32
      %dma_start3A_201 = tpu.memref_slice %arg7[%dma_start3A_200] : memref<4x!tpu.dma_semaphore, #tpu.memory_space<semaphore_mem>> -> memref<1x!tpu.dma_semaphore, #tpu.memory_space<semaphore_mem>>
      %dma_start3A_202 = tpu.memref_squeeze %dma_start3A_201 : memref<1x!tpu.dma_semaphore, #tpu.memory_space<semaphore_mem>> -> memref<!tpu.dma_semaphore, #tpu.memory_space<semaphore_mem>>
      %dma_start3A_203 = arith.constant 0 : i32
      %dma_start3A_204 = arith.constant 0 : i32
      %dma_start3A_205 = arith.constant 0 : i32
      %dma_start3A_206 = tpu.memref_slice %arg5[%dma_start3A_199, %dma_start3A_203, %dma_start3A_204, %dma_start3A_205] : memref<4x4x32x8192xf32, #tpu.memory_space<vmem>> -> memref<1x4x32x8192xf32, #tpu.memory_space<vmem>>
      %dma_start3A_207 = tpu.memref_squeeze %dma_start3A_206 : memref<1x4x32x8192xf32, #tpu.memory_space<vmem>> -> memref<4x32x8192xf32, #tpu.memory_space<vmem>>
      %dma_start3A_208 = arith.constant 0 : i32
      %dma_start3A_209 = arith.constant 0 : i32
      %dma_start3A_210 = arith.constant 0 : i32
      %dma_start3A_211 = tpu.memref_slice %arg2[%dma_start3A_197, %dma_start3A_208, %dma_start3A_209, %dma_start3A_198, %dma_start3A_210] : memref<4x4x32x2x8192xf32, #tpu.memory_space<any>> -> memref<1x4x32x1x8192xf32, #tpu.memory_space<any>>
      %dma_start3A_212 = tpu.memref_squeeze %dma_start3A_211 : memref<1x4x32x1x8192xf32, #tpu.memory_space<any>> -> memref<4x32x8192xf32, #tpu.memory_space<any>>
      tpu.enqueue_dma source(%dma_start3A_212 : memref<4x32x8192xf32, #tpu.memory_space<any>>) target(%dma_start3A_207 : memref<4x32x8192xf32, #tpu.memory_space<vmem>>) target_semaphore(%dma_start3A_202 : memref<!tpu.dma_semaphore, #tpu.memory_space<semaphore_mem>>)
    } else {
    }
    %dma_wait3A = arith.constant 0 : i32
    %dma_wait3A_2 = tpu.memref_slice %arg6[%arg0] : memref<4x!tpu.dma_semaphore, #tpu.memory_space<semaphore_mem>> -> memref<1x!tpu.dma_semaphore, #tpu.memory_space<semaphore_mem>>
    %dma_wait3A_3 = tpu.memref_squeeze %dma_wait3A_2 : memref<1x!tpu.dma_semaphore, #tpu.memory_space<semaphore_mem>> -> memref<!tpu.dma_semaphore, #tpu.memory_space<semaphore_mem>>
    %dma_wait3A_4 = arith.constant 0 : i32
    %dma_wait3A_5 = arith.constant 0 : i32
    %dma_wait3A_6 = arith.constant 0 : i32
    %dma_wait3A_7 = tpu.memref_slice %arg4[%arg0, %dma_wait3A_4, %dma_wait3A_5, %dma_wait3A_6] : memref<4x4x32x8192xf32, #tpu.memory_space<vmem>> -> memref<1x4x32x8192xf32, #tpu.memory_space<vmem>>
    %dma_wait3A_8 = tpu.memref_squeeze %dma_wait3A_7 : memref<1x4x32x8192xf32, #tpu.memory_space<vmem>> -> memref<4x32x8192xf32, #tpu.memory_space<vmem>>
    %dma_wait3A_9 = arith.constant 0 : i32
    %dma_wait3A_10 = arith.constant 0 : i32
    %dma_wait3A_11 = arith.constant 0 : i32
    %dma_wait3A_12 = tpu.memref_slice %arg1[%arg0, %dma_wait3A_9, %dma_wait3A_10, %dma_wait3A, %dma_wait3A_11] : memref<4x4x32x2x8192xf32, #tpu.memory_space<any>> -> memref<1x4x32x1x8192xf32, #tpu.memory_space<any>>
    %dma_wait3A_13 = tpu.memref_squeeze %dma_wait3A_12 : memref<1x4x32x1x8192xf32, #tpu.memory_space<any>> -> memref<4x32x8192xf32, #tpu.memory_space<any>>
    tpu.wait_dma2 semaphore(%dma_wait3A_3 : memref<!tpu.dma_semaphore, #tpu.memory_space<semaphore_mem>>) src(%dma_wait3A_13 : memref<4x32x8192xf32, #tpu.memory_space<any>>) dst(%dma_wait3A_8 : memref<4x32x8192xf32, #tpu.memory_space<vmem>>)
    %dma_wait3A_14 = arith.constant 0 : i32
    %dma_wait3A_15 = tpu.memref_slice %arg7[%arg0] : memref<4x!tpu.dma_semaphore, #tpu.memory_space<semaphore_mem>> -> memref<1x!tpu.dma_semaphore, #tpu.memory_space<semaphore_mem>>
    %dma_wait3A_16 = tpu.memref_squeeze %dma_wait3A_15 : memref<1x!tpu.dma_semaphore, #tpu.memory_space<semaphore_mem>> -> memref<!tpu.dma_semaphore, #tpu.memory_space<semaphore_mem>>
    %dma_wait3A_17 = arith.constant 0 : i32
    %dma_wait3A_18 = arith.constant 0 : i32
    %dma_wait3A_19 = arith.constant 0 : i32
    %dma_wait3A_20 = tpu.memref_slice %arg5[%arg0, %dma_wait3A_17, %dma_wait3A_18, %dma_wait3A_19] : memref<4x4x32x8192xf32, #tpu.memory_space<vmem>> -> memref<1x4x32x8192xf32, #tpu.memory_space<vmem>>
    %dma_wait3A_21 = tpu.memref_squeeze %dma_wait3A_20 : memref<1x4x32x8192xf32, #tpu.memory_space<vmem>> -> memref<4x32x8192xf32, #tpu.memory_space<vmem>>
    %dma_wait3A_22 = arith.constant 0 : i32
    %dma_wait3A_23 = arith.constant 0 : i32
    %dma_wait3A_24 = arith.constant 0 : i32
    %dma_wait3A_25 = tpu.memref_slice %arg2[%arg0, %dma_wait3A_22, %dma_wait3A_23, %dma_wait3A_14, %dma_wait3A_24] : memref<4x4x32x2x8192xf32, #tpu.memory_space<any>> -> memref<1x4x32x1x8192xf32, #tpu.memory_space<any>>
    %dma_wait3A_26 = tpu.memref_squeeze %dma_wait3A_25 : memref<1x4x32x1x8192xf32, #tpu.memory_space<any>> -> memref<4x32x8192xf32, #tpu.memory_space<any>>
    tpu.wait_dma2 semaphore(%dma_wait3A_16 : memref<!tpu.dma_semaphore, #tpu.memory_space<semaphore_mem>>) src(%dma_wait3A_26 : memref<4x32x8192xf32, #tpu.memory_space<any>>) dst(%dma_wait3A_21 : memref<4x32x8192xf32, #tpu.memory_space<vmem>>)
    %get3A = arith.index_cast %arg0 : i32 to index
    %get3A_27 = arith.constant 0 : index
    %get3A_28 = arith.constant 0 : index
    %get3A_29 = arith.constant 0 : index
    %get3A_30 = vector.load %arg5[%get3A, %get3A_27, %get3A_28, %get3A_29] : memref<4x4x32x8192xf32, #tpu.memory_space<vmem>>, vector<1x4x32x8192xf32>
    %get3A_31 = vector.shape_cast %get3A_30 : vector<1x4x32x8192xf32> to vector<4x32x8192xf32>
    %reshape3A = vector.shape_cast %get3A_31 : vector<4x32x8192xf32> to vector<128x8192xf32>
    %get3A_32 = arith.index_cast %arg0 : i32 to index
    %get3A_33 = arith.constant 0 : index
    %get3A_34 = arith.constant 0 : index
    %get3A_35 = arith.constant 0 : index
    %get3A_36 = vector.load %arg4[%get3A_32, %get3A_33, %get3A_34, %get3A_35] : memref<4x4x32x8192xf32, #tpu.memory_space<vmem>>, vector<1x1x32x8192xf32>
    %get3A_37 = vector.shape_cast %get3A_36 : vector<1x1x32x8192xf32> to vector<32x8192xf32>
    %dot_general3A = arith.constant dense<0.000000e+00> : vector<32x128xf32>
    %dot_general3A_38 = tpu.matmul %get3A_37, %reshape3A, %dot_general3A {dimension_numbers = #tpu.dot_dimension_numbers<[1], [1], [0], [0], [0, 0, 1, 0], [], []>, transpose_lhs_hint = false} : vector<32x8192xf32>, vector<128x8192xf32>, vector<32x128xf32> -> vector<32x128xf32>
    %swap3A = arith.constant 0 : index
    %swap3A_39 = arith.constant 0 : index
    %swap3A_40 = arith.constant 0 : index
    %swap3A_41 = vector.load %arg3[%swap3A, %swap3A_39, %swap3A_40] : memref<4x32x128xf32, #tpu.memory_space<vmem>>, vector<1x32x128xf32>
    %swap3A_42 = vector.shape_cast %swap3A_41 : vector<1x32x128xf32> to vector<32x128xf32>
    %swap3A_43 = vector.shape_cast %dot_general3A_38 : vector<32x128xf32> to vector<1x32x128xf32>
    tpu.vector_store %arg3[%swap3A, %swap3A_39, %swap3A_40], %swap3A_43 {strides = array<i32>} : memref<4x32x128xf32, #tpu.memory_space<vmem>>, vector<1x32x128xf32>,
    %get3A_44 = arith.index_cast %arg0 : i32 to index
    %get3A_45 = arith.constant 1 : index
    %get3A_46 = arith.constant 0 : index
    %get3A_47 = arith.constant 0 : index
    %get3A_48 = vector.load %arg4[%get3A_44, %get3A_45, %get3A_46, %get3A_47] : memref<4x4x32x8192xf32, #tpu.memory_space<vmem>>, vector<1x1x32x8192xf32>
    %get3A_49 = vector.shape_cast %get3A_48 : vector<1x1x32x8192xf32> to vector<32x8192xf32>
    %dot_general3A_50 = arith.constant dense<0.000000e+00> : vector<32x128xf32>
    %dot_general3A_51 = tpu.matmul %get3A_49, %reshape3A, %dot_general3A_50 {dimension_numbers = #tpu.dot_dimension_numbers<[1], [1], [0], [0], [0, 0, 1, 0], [], []>, transpose_lhs_hint = false} : vector<32x8192xf32>, vector<128x8192xf32>, vector<32x128xf32> -> vector<32x128xf32>
    %swap3A_52 = arith.constant 1 : index
    %swap3A_53 = arith.constant 0 : index
    %swap3A_54 = arith.constant 0 : index
    %swap3A_55 = vector.load %arg3[%swap3A_52, %swap3A_53, %swap3A_54] : memref<4x32x128xf32, #tpu.memory_space<vmem>>, vector<1x32x128xf32>
    %swap3A_56 = vector.shape_cast %swap3A_55 : vector<1x32x128xf32> to vector<32x128xf32>
    %swap3A_57 = vector.shape_cast %dot_general3A_51 : vector<32x128xf32> to vector<1x32x128xf32>
    tpu.vector_store %arg3[%swap3A_52, %swap3A_53, %swap3A_54], %swap3A_57 {strides = array<i32>} : memref<4x32x128xf32, #tpu.memory_space<vmem>>, vector<1x32x128xf32>,
    %get3A_58 = arith.index_cast %arg0 : i32 to index
    %get3A_59 = arith.constant 2 : index
    %get3A_60 = arith.constant 0 : index
    %get3A_61 = arith.constant 0 : index
    %get3A_62 = vector.load %arg4[%get3A_58, %get3A_59, %get3A_60, %get3A_61] : memref<4x4x32x8192xf32, #tpu.memory_space<vmem>>, vector<1x1x32x8192xf32>
    %get3A_63 = vector.shape_cast %get3A_62 : vector<1x1x32x8192xf32> to vector<32x8192xf32>
    %dot_general3A_64 = arith.constant dense<0.000000e+00> : vector<32x128xf32>
    %dot_general3A_65 = tpu.matmul %get3A_63, %reshape3A, %dot_general3A_64 {dimension_numbers = #tpu.dot_dimension_numbers<[1], [1], [0], [0], [0, 0, 1, 0], [], []>, transpose_lhs_hint = false} : vector<32x8192xf32>, vector<128x8192xf32>, vector<32x128xf32> -> vector<32x128xf32>
    %swap3A_66 = arith.constant 2 : index
    %swap3A_67 = arith.constant 0 : index
    %swap3A_68 = arith.constant 0 : index
    %swap3A_69 = vector.load %arg3[%swap3A_66, %swap3A_67, %swap3A_68] : memref<4x32x128xf32, #tpu.memory_space<vmem>>, vector<1x32x128xf32>
    %swap3A_70 = vector.shape_cast %swap3A_69 : vector<1x32x128xf32> to vector<32x128xf32>
    %swap3A_71 = vector.shape_cast %dot_general3A_65 : vector<32x128xf32> to vector<1x32x128xf32>
    tpu.vector_store %arg3[%swap3A_66, %swap3A_67, %swap3A_68], %swap3A_71 {strides = array<i32>} : memref<4x32x128xf32, #tpu.memory_space<vmem>>, vector<1x32x128xf32>,
    %get3A_72 = arith.index_cast %arg0 : i32 to index
    %get3A_73 = arith.constant 3 : index
    %get3A_74 = arith.constant 0 : index
    %get3A_75 = arith.constant 0 : index
    %get3A_76 = vector.load %arg4[%get3A_72, %get3A_73, %get3A_74, %get3A_75] : memref<4x4x32x8192xf32, #tpu.memory_space<vmem>>, vector<1x1x32x8192xf32>
    %get3A_77 = vector.shape_cast %get3A_76 : vector<1x1x32x8192xf32> to vector<32x8192xf32>
    %dot_general3A_78 = arith.constant dense<0.000000e+00> : vector<32x128xf32>
    %dot_general3A_79 = tpu.matmul %get3A_77, %reshape3A, %dot_general3A_78 {dimension_numbers = #tpu.dot_dimension_numbers<[1], [1], [0], [0], [0, 0, 1, 0], [], []>, transpose_lhs_hint = false} : vector<32x8192xf32>, vector<128x8192xf32>, vector<32x128xf32> -> vector<32x128xf32>
    %swap3A_80 = arith.constant 3 : index
    %swap3A_81 = arith.constant 0 : index
    %swap3A_82 = arith.constant 0 : index
    %swap3A_83 = vector.load %arg3[%swap3A_80, %swap3A_81, %swap3A_82] : memref<4x32x128xf32, #tpu.memory_space<vmem>>, vector<1x32x128xf32>
    %swap3A_84 = vector.shape_cast %swap3A_83 : vector<1x32x128xf32> to vector<32x128xf32>
    %swap3A_85 = vector.shape_cast %dot_general3A_79 : vector<32x128xf32> to vector<1x32x128xf32>
    tpu.vector_store %arg3[%swap3A_80, %swap3A_81, %swap3A_82], %swap3A_85 {strides = array<i32>} : memref<4x32x128xf32, #tpu.memory_space<vmem>>, vector<1x32x128xf32>,
    return
  }
  func.func @transform_2(%arg0: i32) -> (i32, i32, i32) {
    %c0_i32 = arith.constant 0 : i32
    %c0_i32_0 = arith.constant 0 : i32
    %c0_i32_1 = arith.constant 0 : i32
    return %arg0, %c0_i32, %c0_i32_0 : i32, i32, i32
  }
}

</mosaic_0001>

<sc_bundles>
// kernel: kernel.4.cloned.1.call-start
scs
__scs_entry_jumppad:
0x0: {  	(pc) =	sbr.rel $0x88, $3  }
0x1: {  	(tag) =	ssettag $0x0;
	lr =	simm.s32 $0x1  }
0x2: {  	[smem:$0x3F9D] =	sst lr;
	_ =	strace $0xD0000000  }
0x3: {  	_ = 	snop  }
0x4: {  	_ = 	snop  }
0x5: {  	_ = 	snop  }
0x6: {  	_ = 	snop  }
0x7: {  	_ = 	snop  }
__scs_overlays_trampoline_lowered:
0x8: {  	[smem:$0x3FAC] =	sst s0  }
0x9: {  	[smem:$0x3FAD] =	sst s1  }
0xa: {  	[smem:$0x3FAE] =	sst s2  }
0xb: {  	[smem:$0x3FAF] =	sst s3  }
0xc: {  	[smem:$0x3FB0] =	sst s4  }
0xd: {  	[smem:$0x3FB1] =	sst s5  }
0xe: {  	[smem:$0x3FB2] =	sst s6  }
0xf: {  	[smem:$0x3FB3] =	sst s7  }
0x10: {  	[smem:$0x3FB4] =	sst s8  }
0x11: {  	[smem:$0x3FB5] =	sst s9;
	s0 =	simm.s32 @!p0 $0x0  }
0x12: {  	s1 =	sld [smem:$0x3F9B];
	s0 =	simm.s32 @p0 $0x1  }
0x13: {  	[smem:$0x3FB6] =	sst s0;
	s0 =	simm.s32 @!p1 $0x0  }
0x14: {  	s2 =	sld [smem:$0x3F9A];
	s0 =	simm.s32 @p1 $0x1  }
0x15: {  	[smem:$0x3FB7] =	sst s0;
	s0 =	simm.s32 @!p2 $0x0  }
0x16: {  	s3 =	sld [smem:$0x3FDB];
	s0 =	simm.s32 @p2 $0x1  }
0x17: {  	s4 =	simm.s32 $0x1BF5;
	[smem:$0x3FB9] =	sst s0  }
0x18: {  	s0 =	sld [smem:$0x3F9C];
	_ =	swait.ge [sflag:s4], $0x0  }
0x19: {  	s7 =	sld [smem:$0x3F9D]  }
0x1a: {  	s8 =	sadd.s32 $0xFFFFE003, lr  }
0x1b: {  	s9 =	sadd.s32 $0xFFFFFEF7, lr;
	s5 =	simm.s32 $0xFFFFFFFF;
	p2 =	slt.u32 s8, $0xFFFFF086  }
0x1c: {  	p1 =	slt.u32 s9, $0xF7A;
	s5 =	simm.s32 @!p2 $0x0  }
0x1d: {  	s5 =	simm.s32 @p1 $0x1;
	p0 =	seq.s32 s7, s2  }
0x1e: {  	s7 =	smul.u32 @!p0 $0xF7A, s2;
	p2 =	seq.s32 @!p0 s5, $0x0  }
0x1f: {  	s9 =	smul.u32 $0xF7A, s1;
	s8 =	simm.s32 @!p0 $0x1BF5;
	p2 =	por !p2, p0  }
0x20: {  	[sflag:s8] =	ssyncset.s32 @!p0 $0xFFFFF086;
	s6 =	sadd.s32 @!p0 s3, s7;
	s7 =	simm.s32 @!p0 $0x108  }
0x21: {  	s3 =	sadd.s32 s3, s9;
	s6 =	sadd.s32 @!p0 $0x88, s6;
	s7 =	simm.s32 @p2 $0x1082  }
0x22: {  	[simem:s7], [sflag:s8] =	dma.local @!p0 [hbm:s6], $0xF7A  }
0x23: {  	s9 =	sor.u32 $0xD0000000, s2;
	s6 =	simm.s32 $0x108;
	_ =	swait.ge @!p0 [sflag:s8], $0x0  }
0x24: {  	s3 =	sadd.s32 $0x88, s3;
	s6 =	simm.s32 @!p1 $0x1082;
	[sflag:s4] =	ssyncset.s32 $0xFFFFF086  }
0x25: {  	[simem:s6], [sflag:s4] =	dma.local [hbm:s3], $0xF7A  }
0x26: {  	[smem:$0x3F9D] =	sst s1;
	(tag) =	ssettag s2;
	_ =	strace s9  }
0x27: {  	s1 =	sld [smem:$0x3FAD]  }
0x28: {  	s2 =	sld [smem:$0x3FAE]  }
0x29: {  	s4 =	sld [smem:$0x3FB0]  }
0x2a: {  	p0 =	seq.s32 s5, $0x0;
	s5 =	sld [smem:$0x3FB1]  }
0x2b: {  	s6 =	sld [smem:$0x3FB2]  }
0x2c: {  	s7 =	sld [smem:$0x3FB3]  }
0x2d: {  	s3 =	simm.s32 $0x108;
	s8 =	sld [smem:$0x3FB4]  }
0x2e: {  	s3 =	simm.s32 @!p0 $0x1082;
	s9 =	sld [smem:$0x3FB5]  }
0x2f: {  	lr =	sadd.s32 s0, s3;
	s0 =	sld [smem:$0x3FAC]  }
0x30: {  	s3 =	sld [smem:$0x3FAF]  }
0x31: {  	[smem:$0x3FB8] =	sst s10  }
0x32: {  	s10 =	sld [smem:$0x3FB6];
	_ =	sdelay $0x3  }
0x33: {  	p0 =	seq.s32 s10, $0x1;
	s10 =	sld [smem:$0x3FB8];
	_ =	sdelay $0x3  }
0x34: {  	[smem:$0x3FB8] =	sst s10  }
0x35: {  	s10 =	sld [smem:$0x3FB7];
	_ =	sdelay $0x3  }
0x36: {  	p1 =	seq.s32 s10, $0x1;
	s10 =	sld [smem:$0x3FB8];
	_ =	sdelay $0x3  }
0x37: {  	[smem:$0x3FB8] =	sst s10  }
0x38: {  	s10 =	sld [smem:$0x3FB9]  }
0x39: {  	_ = 	snop;
	(pc) =	sbr.ind lr, $3  }
0x3a: {  	_ = 	snop  }
0x3b: {  	_ = 	snop  }
0x3c: {  	p2 =	seq.s32 s10, $0x1;
	s10 =	sld [smem:$0x3FB8]  }
0x3d: {  	_ =	shalt  }
0x3e: {  	_ =	shalt  }
0x3f: {  	_ =	shalt  }
0x40: {  	_ =	shalt  }
0x41: {  	_ =	shalt  }
0x42: {  	_ =	shalt  }
0x43: {  	_ =	shalt  }
0x44: {  	_ =	shalt  }
0x45: {  	_ =	shalt  }
0x46: {  	_ =	shalt  }
0x47: {  	_ =	shalt  }
0x48: {  	_ =	shalt  }
0x49: {  	_ =	shalt  }
0x4a: {  	_ =	shalt  }
0x4b: {  	_ =	shalt  }
0x4c: {  	_ =	shalt  }
0x4d: {  	_ =	shalt  }
0x4e: {  	_ =	shalt  }
0x4f: {  	_ =	shalt  }
0x50: {  	_ =	shalt  }
0x51: {  	_ =	shalt  }
0x52: {  	_ =	shalt  }
0x53: {  	_ =	shalt  }
0x54: {  	_ =	shalt  }
0x55: {  	_ =	shalt  }
0x56: {  	_ =	shalt  }
0x57: {  	_ =	shalt  }
0x58: {  	_ =	shalt  }
0x59: {  	_ =	shalt  }
0x5a: {  	_ =	shalt  }
0x5b: {  	_ =	shalt  }
0x5c: {  	_ =	shalt  }
0x5d: {  	_ =	shalt  }
0x5e: {  	_ =	shalt  }
0x5f: {  	_ =	shalt  }
0x60: {  	_ =	shalt  }
0x61: {  	_ =	shalt  }
0x62: {  	_ =	shalt  }
0x63: {  	_ =	shalt  }
0x64: {  	_ =	shalt  }
0x65: {  	_ =	shalt  }
0x66: {  	_ =	shalt  }
0x67: {  	_ =	shalt  }
0x68: {  	_ =	shalt  }
0x69: {  	_ =	shalt  }
0x6a: {  	_ =	shalt  }
0x6b: {  	_ =	shalt  }
0x6c: {  	_ =	shalt  }
0x6d: {  	_ =	shalt  }
0x6e: {  	_ =	shalt  }
0x6f: {  	_ =	shalt  }
0x70: {  	_ =	shalt  }
0x71: {  	_ =	shalt  }
0x72: {  	_ =	shalt  }
0x73: {  	_ =	shalt  }
0x74: {  	_ =	shalt  }
0x75: {  	_ =	shalt  }
0x76: {  	_ =	shalt  }
0x77: {  	_ =	shalt  }
0x78: {  	_ =	shalt  }
0x79: {  	_ =	shalt  }
0x7a: {  	_ =	shalt  }
0x7b: {  	_ =	shalt  }
0x7c: {  	_ =	shalt  }
0x7d: {  	_ =	shalt  }
0x7e: {  	_ =	shalt  }
0x7f: {  	_ =	shalt  }
0x80: {  	_ =	shalt  }
0x81: {  	_ =	shalt  }
0x82: {  	_ =	shalt  }
0x83: {  	_ =	shalt  }
0x84: {  	_ =	shalt  }
0x85: {  	_ =	shalt  }
0x86: {  	_ =	shalt  }
0x87: {  	_ =	shalt  }
.Lfunc_end0:
.L_simem_size_0:
called_computation_lowered:
.L_overlay_start_0:
0x88: {  	s0 =	sld [smem:$0x3FD9]  }
0x89: {  	s1 =	sld [smem:$0x3FFE];
	_ =	sdelay $0x3  }
0x8a: {  	s0 =	sadd.s32 s1, s0  }
0x8b: {  	[smem:$0x3FC4] =	sst s0  }
0x8c: {  	_ = 	snop  }
0x8d: {  	s0 =	sld [smem:$0x3FC7]  }
0x8e: {  	s16 =	sld [smem:$0x3FC6];
	(tm) =	ssettm $0x1  }
0x8f: {  	s2 =	sld [smem:$0x3FFB];
	_ =	sdelay $0x3  }
0x90: {  	_ =	strace s2  }
0x91: {  	s2 =	sld [smem:$0x3FFC];
	_ =	sdelay $0x3  }
0x92: {  	_ =	strace s2  }
0x93: {  	s2 =	sld [smem:$0x3FFD];
	_ =	sdelay $0x3  }
0x94: {  	_ =	strace s2  }
0x95: {  	_ =	strace $0x8FFFFFFF  }
0x96: {  	s17 =	sld [smem:$0x3FDB];
	_ =	sdelay $0x1  }
0x97: {  	s3 =	simm.s32 $_scs_section_size  }
0x98: {  	s4 =	simm.s32 $_size__tile_overlayer_lowered;
	s5 =	simm.s32 $_tile_overlayer_lowered  }
0x99: {  	s20 =	simm.s32 $0x1BFF;
	s19 =	sshll.u32 s5, $0x1;
	s2 =	sadd.s32 s3, s17  }
0x9a: {  	s6 =	simm.s32 $0x0;
	s18 =	sshll.u32 s4, $0x1;
	s4 =	sadd.s32 s19, s2  }
0x9b: {  	[timem:s6], [sflag:s20] =	dma.local [hbm:s4], s18  }
0x9c: {  	_ =	swait.ge [sflag:s20], s18  }
0x9d: {  	s3 =	ssub.s32 $0x0, s18;
	[sflag:s20] =	ssyncset.done $0x0  }
0x9e: {  	[sflag:s20] =	ssyncadd.s32 s3;
	_ =	sdelay $0x1  }
0x9f: {  	s21 =	simm.s32 $0x1B8B  }
0xa0: {  	_ =	swait.ge [sflag:s21], $0x1  }
0xa1: {  	[sflag:s21] =	ssyncset.done $0x0  }
0xa2: {  	s23 =	simm.s32 $0x1B8E;
	s22 =	sld [smem:$0x3FFE];
	[sflag:s21] =	ssyncadd.s32 $0xFFFFFFFF  }
0xa3: {  	s24 =	simm.s32 $execute0_lowered;
	[smem:$0x3FD2] =	sst s23  }
0xa4: {  	s4 =	sshll.u32 s24, $0x1;
	_ =	strace $0x80000046;
	[dreg:$0x1] =	wrdreg $0xFFFFFFFF  }
0xa5: {  	s25 =	simm.s32 $_size_execute0_lowered;
	s2 =	sadd.s32 s2, s4;
	[dreg:$0x0] =	wrdreg $0x0  }
0xa6: {  	s4 =	sshll.u32 s25, $0x1;
	[dreg:$0x2] =	wrdreg s2  }
0xa7: {  	[dreg:$0x3] =	wrdreg s4  }
0xa8: {  	[dreg:$0x4] =	wrdreg $0xC0  }
0xa9: {  	_ =	task [dreg:s6], $0x5FFFF  }
0xaa: {  	[dreg:$0x1] =	wrdreg $0xFFFFFFFF  }
0xab: {  	[dreg:$0x0] =	wrdreg $0x60  }
0xac: {  	[dreg:$0x2] =	wrdreg s22  }
0xad: {  	[dreg:$0x3] =	wrdreg s0  }
0xae: {  	[dreg:$0x4] =	wrdreg s16  }
0xaf: {  	[dreg:$0x5] =	wrdreg $0x9  }
0xb0: {  	_ =	task.clear_ibuf [dreg:s6], $0x6FFFF;
	_ =	strace $0x90000046  }
0xb1: {  	s26 =	simm.s32 $0x9;
	_ =	strace $0x80000048  }
0xb2: {  	_ =	swait.ge [sflag:s26], $0x1  }
0xb3: {  	[sflag:s26] =	ssyncadd.s32 $0xFFFFFFFF  }
0xb4: {  	_ =	strace $0x90000048  }
0xb5: {  	_ =	sfence  }
0xb6: {  	s28 =	sld [smem:$0x0];
	_ =	sdelay $0x1  }
0xb7: {  	s29 =	srdreg.scid  }
0xb8: {  	s30 =	sshll.u32 s29, $0xD;
	s31 =	sshrl.u32 s29, $0x2  }
0xb9: {  	s1 =	sand.u32 $0x1, s29;
	s2 =	sand.u32 $0x4000, s30;
	s0 =	sadd.s32 s31, s28  }
0xba: {  	s1 =	sor.u32 s2, s1;
	s0 =	sshll.u32 s0, $0x11  }
0xbb: {  	s0 =	sor.u32 s0, s1  }
0xbc: {  	s0 =	sadd.s32 $0x8F2B, s0  }
0xbd: {  	[sflag:s0] =	ssyncadd.remote.s32 $0x1  }
0xbe: {  	_ =	sfence.sel $0xFFFF  }
0xbf: {  	[dreg:$0x0] =	wrdreg $0xFFFFFFFF;
	(pc) =	sbr.abs _section_cstart, $3  }
0xc0: {  	[dreg:$0x1] =	wrdreg $0xFFFFFFFF  }
0xc1: {  	_ =	task.clear_ibuf [dreg:s6], $0x2FFFF;
	_ =	strace $0x9FFFFFFF  }
0xc2: {  	(tm) =	ssettm $0x7FFFFFFF  }
0xc3: {  	_ =	shalt  }
tec
execute0_lowered:
.L_overlay_start_1:
0x0: {  	(tag) =	ssettag $0x1  }
0x1: {  	s2 =	rddreg [dreg:$0x0]  }
0x2: {  	s5 =	rddreg [dreg:$0x1]  }
0x3: {  	s6 =	rddreg [dreg:$0x2];
	s1 =	stileid.u32  }
0x4: {  	s0 =	rddreg [dreg:$0x3];
	s3 =	simm.s32 $0x0;
	s4 =	sshll.u32 s1, $0x9  }
0x5: {  	[smem:$0x7FF] =	sst s3;
	s4 =	sadd.s32 s4, s2  }
0x6: {  	s28 =	simm.s32 $0x1;
	_ =	strace $0x80000047;
	s4 =	sadd.s32 $0x400, s4  }
0x7: {  	[tilespmem:s3], [sflag:$0x1] =	stream.linear.gather [hbm4b:s4+s3], $0x1000, $0x38;
	[tilespmem:$0x1200] =	vst v63  }
0x8: {  	_ =	swait.ge [sflag:s28], $0x1000  }
0x9: {  	[sflag:s28] =	ssyncset.done $0x0  }
0xa: {  	s7 =	simm.s32 $0x1000;
	[sflag:s28] =	ssyncadd.s32 $0xFFFFF000  }
0xb: {  	[tilespmem:s7], [sflag:$0x1] =	stream.linear.gather [hbm4b:s5+s3], $0x80, $0x38;
	[tilespmem:$0x1200] =	vst v63  }
0xc: {  	_ =	swait.ge [sflag:s28], $0x80  }
0xd: {  	[sflag:s28] =	ssyncset.done $0x0  }
0xe: {  	s29 =	simm.s32 $0x1080;
	[sflag:s28] =	ssyncadd.s32 $0xFFFFFF80  }
0xf: {  	[tilespmem:s29], [sflag:$0x1] =	stream.linear.gather [hbm4b:s6+s3], $0x80, $0x38;
	[tilespmem:$0x1200] =	vst v63  }
0x10: {  	_ =	swait.ge [sflag:s28], $0x80  }
0x11: {  	[sflag:s28] =	ssyncset.done $0x0  }
0x12: {  	[sflag:s28] =	ssyncadd.s32 $0xFFFFFF80  }
0x13: {  	v0 =	vld [tilespmem:$0x1000]  }
0x14: {  	v1 =	vld [tilespmem:$0x1080];
	_ =	sdelay $0x4  }
0x15: {  	v2 =	vand.u32 $0xFFFFFF80, v1;
	v0 =	vshll.u32 v0, $0x7  }
0x16: {  	v1 =	vand.u32 $0x7F, v1;
	v0 =	vadd.s32 v0, v2  }
0x17: {  	v20 =	vld [tilespmem:$0x1010];
	v0 =	vor.u32 v1, v0  }
0x18: {  	v21 =	vld [tilespmem:$0x1090];
	_ =	sdelay $0x3  }
0x19: {  	v0 =	vld.idx.msk [tilespmem:v0+s3+$0x0], $0xffff  }
0x1a: {  	v3 =	vand.u32 $0xFFFFFF80, v21;
	v1 =	vshll.u32 v20, $0x7  }
0x1b: {  	v2 =	vand.u32 $0x7F, v21;
	v1 =	vadd.s32 v1, v3  }
0x1c: {  	v22 =	vld [tilespmem:$0x1020];
	v1 =	vor.u32 v2, v1  }
0x1d: {  	v23 =	vld [tilespmem:$0x10A0]  }
0x1e: {  	v0 =	vmul.f32 $1.220703130e-04, v0;
	_ =	sdelay $0x1  }
0x1f: {  	[tilespmem:$0x1100] =	vst v0  }
0x20: {  	v0 =	vld.idx.msk [tilespmem:v1+s3+$0x0], $0xffff  }
0x21: {  	v24 =	vand.u32 $0xFFFFFF80, v23;
	v2 =	vshll.u32 v22, $0x7  }
0x22: {  	v3 =	vand.u32 $0x7F, v23;
	v1 =	vadd.s32 v2, v24  }
0x23: {  	v25 =	vld [tilespmem:$0x1030];
	v1 =	vor.u32 v3, v1  }
0x24: {  	v26 =	vld [tilespmem:$0x10B0]  }
0x25: {  	v0 =	vmul.f32 $1.220703130e-04, v0;
	_ =	sdelay $0x1  }
0x26: {  	[tilespmem:$0x1110] =	vst v0  }
0x27: {  	v0 =	vld.idx.msk [tilespmem:v1+s3+$0x0], $0xffff  }
0x28: {  	v27 =	vand.u32 $0xFFFFFF80, v26;
	v2 =	vshll.u32 v25, $0x7  }
0x29: {  	v3 =	vand.u32 $0x7F, v26;
	v1 =	vadd.s32 v2, v27  }
0x2a: {  	v28 =	vld [tilespmem:$0x1080];
	v1 =	vor.u32 v3, v1  }
0x2b: {  	v29 =	vld [tilespmem:$0x1000]  }
0x2c: {  	v0 =	vmul.f32 $1.220703130e-04, v0;
	_ =	sdelay $0x1  }
0x2d: {  	[tilespmem:$0x1120] =	vst v0  }
0x2e: {  	v30 =	vadd.s32 $0x20, v28;
	v0 =	vld.idx.msk [tilespmem:v1+s3+$0x0], $0xffff  }
0x2f: {  	v2 =	vand.u32 $0xFFFFFF80, v30;
	v3 =	vshll.u32 v29, $0x7  }
0x30: {  	v2 =	vadd.s32 v3, v2;
	v1 =	vand.u32 $0x7F, v30  }
0x31: {  	v31 =	vld [tilespmem:$0x1090];
	v1 =	vor.u32 v1, v2  }
0x32: {  	v32 =	vld [tilespmem:$0x1010]  }
0x33: {  	v0 =	vmul.f32 $1.220703130e-04, v0;
	_ =	sdelay $0x1  }
0x34: {  	[tilespmem:$0x1130] =	vst v0  }
0x35: {  	v33 =	vadd.s32 $0x20, v31;
	v0 =	vld.idx.msk [tilespmem:v1+s3+$0x0], $0xffff  }
0x36: {  	v3 =	vshll.u32 v32, $0x7;
	v2 =	vand.u32 $0xFFFFFF80, v33  }
0x37: {  	v2 =	vadd.s32 v3, v2;
	v1 =	vand.u32 $0x7F, v33  }
0x38: {  	v34 =	vld [tilespmem:$0x10A0];
	v1 =	vor.u32 v1, v2  }
0x39: {  	v35 =	vld [tilespmem:$0x1020]  }
0x3a: {  	v0 =	vmul.f32 $1.220703130e-04, v0;
	_ =	sdelay $0x1  }
0x3b: {  	[tilespmem:$0x1140] =	vst v0  }
0x3c: {  	v36 =	vadd.s32 $0x20, v34;
	v0 =	vld.idx.msk [tilespmem:v1+s3+$0x0], $0xffff  }
0x3d: {  	v3 =	vshll.u32 v35, $0x7;
	v2 =	vand.u32 $0xFFFFFF80, v36  }
0x3e: {  	v2 =	vadd.s32 v3, v2;
	v1 =	vand.u32 $0x7F, v36  }
0x3f: {  	v37 =	vld [tilespmem:$0x10B0];
	v1 =	vor.u32 v1, v2  }
0x40: {  	v38 =	vld [tilespmem:$0x1030]  }
0x41: {  	v0 =	vmul.f32 $1.220703130e-04, v0;
	_ =	sdelay $0x1  }
0x42: {  	[tilespmem:$0x1150] =	vst v0  }
0x43: {  	v39 =	vadd.s32 $0x20, v37;
	v0 =	vld.idx.msk [tilespmem:v1+s3+$0x0], $0xffff  }
0x44: {  	v3 =	vshll.u32 v38, $0x7;
	v2 =	vand.u32 $0xFFFFFF80, v39  }
0x45: {  	v2 =	vadd.s32 v3, v2;
	v1 =	vand.u32 $0x7F, v39  }
0x46: {  	v40 =	vld [tilespmem:$0x1080];
	v1 =	vor.u32 v1, v2  }
0x47: {  	v41 =	vld [tilespmem:$0x1000]  }
0x48: {  	v0 =	vmul.f32 $1.220703130e-04, v0;
	_ =	sdelay $0x1  }
0x49: {  	[tilespmem:$0x1160] =	vst v0  }
0x4a: {  	v42 =	vadd.s32 $0x40, v40;
	v0 =	vld.idx.msk [tilespmem:v1+s3+$0x0], $0xffff  }
0x4b: {  	v3 =	vshll.u32 v41, $0x7;
	v2 =	vand.u32 $0xFFFFFF80, v42  }
0x4c: {  	v2 =	vadd.s32 v3, v2;
	v1 =	vand.u32 $0x7F, v42  }
0x4d: {  	v43 =	vld [tilespmem:$0x1090];
	v1 =	vor.u32 v1, v2  }
0x4e: {  	v44 =	vld [tilespmem:$0x1010]  }
0x4f: {  	v0 =	vmul.f32 $1.220703130e-04, v0;
	_ =	sdelay $0x1  }
0x50: {  	[tilespmem:$0x1170] =	vst v0  }
0x51: {  	v45 =	vadd.s32 $0x40, v43;
	v0 =	vld.idx.msk [tilespmem:v1+s3+$0x0], $0xffff  }
0x52: {  	v3 =	vshll.u32 v44, $0x7;
	v2 =	vand.u32 $0xFFFFFF80, v45  }
0x53: {  	v2 =	vadd.s32 v3, v2;
	v1 =	vand.u32 $0x7F, v45  }
0x54: {  	v46 =	vld [tilespmem:$0x10A0];
	v1 =	vor.u32 v1, v2  }
0x55: {  	v47 =	vld [tilespmem:$0x1020]  }
0x56: {  	v0 =	vmul.f32 $1.220703130e-04, v0;
	_ =	sdelay $0x1  }
0x57: {  	[tilespmem:$0x1180] =	vst v0  }
0x58: {  	v48 =	vadd.s32 $0x40, v46;
	v0 =	vld.idx.msk [tilespmem:v1+s3+$0x0], $0xffff  }
0x59: {  	v3 =	vshll.u32 v47, $0x7;
	v2 =	vand.u32 $0xFFFFFF80, v48  }
0x5a: {  	v2 =	vadd.s32 v3, v2;
	v1 =	vand.u32 $0x7F, v48  }
0x5b: {  	v49 =	vld [tilespmem:$0x10B0];
	v1 =	vor.u32 v1, v2  }
0x5c: {  	v50 =	vld [tilespmem:$0x1030]  }
0x5d: {  	v0 =	vmul.f32 $1.220703130e-04, v0;
	_ =	sdelay $0x1  }
0x5e: {  	[tilespmem:$0x1190] =	vst v0  }
0x5f: {  	v51 =	vadd.s32 $0x40, v49;
	v0 =	vld.idx.msk [tilespmem:v1+s3+$0x0], $0xffff  }
0x60: {  	v3 =	vshll.u32 v50, $0x7;
	v2 =	vand.u32 $0xFFFFFF80, v51  }
0x61: {  	v2 =	vadd.s32 v3, v2;
	v1 =	vand.u32 $0x7F, v51  }
0x62: {  	v52 =	vld [tilespmem:$0x1080];
	v1 =	vor.u32 v1, v2  }
0x63: {  	v53 =	vld [tilespmem:$0x1000]  }
0x64: {  	v0 =	vmul.f32 $1.220703130e-04, v0;
	_ =	sdelay $0x1  }
0x65: {  	[tilespmem:$0x11A0] =	vst v0  }
0x66: {  	v54 =	vadd.s32 $0x60, v52;
	v0 =	vld.idx.msk [tilespmem:v1+s3+$0x0], $0xffff  }
0x67: {  	v3 =	vshll.u32 v53, $0x7;
	v2 =	vand.u32 $0xFFFFFF80, v54  }
0x68: {  	v2 =	vadd.s32 v3, v2;
	v1 =	vand.u32 $0x7F, v54  }
0x69: {  	v55 =	vld [tilespmem:$0x1090];
	v1 =	vor.u32 v1, v2  }
0x6a: {  	v56 =	vld [tilespmem:$0x1010]  }
0x6b: {  	v0 =	vmul.f32 $1.220703130e-04, v0;
	_ =	sdelay $0x1  }
0x6c: {  	[tilespmem:$0x11B0] =	vst v0  }
0x6d: {  	v57 =	vadd.s32 $0x60, v55;
	v0 =	vld.idx.msk [tilespmem:v1+s3+$0x0], $0xffff  }
0x6e: {  	v3 =	vshll.u32 v56, $0x7;
	v2 =	vand.u32 $0xFFFFFF80, v57  }
0x6f: {  	v2 =	vadd.s32 v3, v2;
	v1 =	vand.u32 $0x7F, v57  }
0x70: {  	v58 =	vld [tilespmem:$0x10A0];
	v1 =	vor.u32 v1, v2  }
0x71: {  	v59 =	vld [tilespmem:$0x1020]  }
0x72: {  	v0 =	vmul.f32 $1.220703130e-04, v0;
	_ =	sdelay $0x1  }
0x73: {  	[tilespmem:$0x11C0] =	vst v0  }
0x74: {  	v60 =	vadd.s32 $0x60, v58;
	v0 =	vld.idx.msk [tilespmem:v1+s3+$0x0], $0xffff  }
0x75: {  	v3 =	vshll.u32 v59, $0x7;
	v2 =	vand.u32 $0xFFFFFF80, v60  }
0x76: {  	v2 =	vadd.s32 v3, v2;
	v1 =	vand.u32 $0x7F, v60  }
0x77: {  	v61 =	vld [tilespmem:$0x10B0];
	v1 =	vor.u32 v1, v2  }
0x78: {  	v62 =	vld [tilespmem:$0x1030]  }
0x79: {  	v0 =	vmul.f32 $1.220703130e-04, v0;
	_ =	sdelay $0x1  }
0x7a: {  	[tilespmem:$0x11D0] =	vst v0  }
0x7b: {  	v63 =	vadd.s32 $0x60, v61;
	v0 =	vld.idx.msk [tilespmem:v1+s3+$0x0], $0xffff  }
0x7c: {  	v3 =	vshll.u32 v62, $0x7;
	v2 =	vand.u32 $0xFFFFFF80, v63  }
0x7d: {  	v2 =	vadd.s32 v3, v2;
	v1 =	vand.u32 $0x7F, v63  }
0x7e: {  	v1 =	vor.u32 v1, v2;
	_ =	sdelay $0x1  }
0x7f: {  	v0 =	vmul.f32 $1.220703130e-04, v0;
	_ =	sdelay $0x1  }
0x80: {  	[tilespmem:$0x11E0] =	vst v0  }
0x81: {  	v0 =	vld.idx.msk [tilespmem:v1+s3+$0x0], $0xffff;
	_ =	sdelay $0x4  }
0x82: {  	s30 =	sshll.u32 s1, $0x5;
	v0 =	vmul.f32 $1.220703130e-04, v0  }
0x83: {  	s2 =	sadd.s32 s30, s2  }
0x84: {  	s31 =	simm.s32 $0x1100;
	s2 =	sadd.s32 $0x2400, s2;
	[tilespmem:$0x11F0] =	vst v0  }
0x85: {  	[hbm4b:s2+s3] =	stream.linear.scatter [tilespmem:s31], [sflag:$0x1], $0x100, $0x38;
	[tilespmem:$0x1200] =	vst v63  }
0x86: {  	_ =	swait.ge [sflag:s28], $0x100  }
0x87: {  	[sflag:s28] =	ssyncset.done $0x0  }
0x88: {  	[sflag:s28] =	ssyncadd.s32 $0xFFFFFF00  }
0x89: {  	_ =	sfence.sel $0x180000  }
0x8a: {  	[bflag:$0x0] =	sbarrier.arrive $0xFFFF  }
0x8b: {  	p0 =	sne.s32 s1, $0x0;
	_ =	strace $0x90000047  }
0x8c: {  	s0 =	sadd.s32 @!p0 $0x100000, s0;
	[bflag:$0x2] =	sbarrier.arrive $0xFFFF  }
0x8d: {  	[sflag:s0] =	ssyncadd.tile.s32 @!p0 $0x1;
	_ =	shalt  }
.Lfunc_end2:
_tile_overlayer_lowered:
.L_overlay_start_2:
0x8e: {  	(tag) =	ssettag $0x2  }
0x8f: {  	s0 =	rddreg [dreg:$0x0];
	s2 =	stileid.u32  }
0x90: {  	s1 =	rddreg [dreg:$0x1];
	p0 =	sne.s32 s2, $0x0  }
0x91: {  	s3 =	rddreg [dreg:$0x2];
	[bflag:$0x3] =	sbarrier.arrive $0xFFFF;
	s2 =	simm.s32 @!p0 $0x1C01  }
0x92: {  	[timem:s3], [sflag:s2] =	dma.local @!p0 [hbm:s0], s1  }
0x93: {  	s0 =	simm.s32 @!p0 $0x1  }
0x94: {  	_ =	swait.ge @!p0 [sflag:s0], s1  }
0x95: {  	s1 =	ssub.s32 @!p0 $0x0, s1;
	[sflag:s0] =	ssyncset.done @!p0 $0x0  }
0x96: {  	[sflag:s0] =	ssyncadd.s32 @!p0 s1  }
0x97: {  	[bflag:$0x3] =	sbarrier.arrive $0xFFFF  }
0x98: {  	_ =	shalt  }

</sc_bundles>
